<compile_context>
chip_gen: v7x
topology: tpu7x:2x2x1
jax: 0.10.2.dev20260603
libtpu: 0.0.44.dev20260713+nightly
codegen_flags: <defaults>
</compile_context>

<pallas_src>
import functools

import jax
import jax.numpy as jnp
from jax import lax
from jax.experimental import pallas as pl
from jax.experimental.pallas import tpu as pltpu
from jax.experimental.pallas import tpu_sc as plsc

NUM_CORES = 2
NUM_SUBCORES = 16
LANES = 16
GROUP = 256
NUM_WORKERS = NUM_CORES * NUM_SUBCORES
NPARAMS = 17

SC_GROUPS = 3072
TC_BLOCK_ROWS = 2048


def _vq_sc_body(chunk, n_groups, x_hbm, p_hbm, o_hbm, buf, par):
    c = lax.axis_index("c")
    s = lax.axis_index("s")
    wid = s * NUM_CORES + c
    base = wid * chunk

    pltpu.sync_copy(x_hbm.at[pl.ds(base, chunk)], buf)
    pltpu.sync_copy(p_hbm, par)

    wrow0 = par[0]
    wrow1 = par[1]

    def lane(v, j):
        idx = jnp.full((LANES,), j, jnp.int32)
        return v.at[idx].get(mode="promise_in_bounds")

    a0, a1, a2, a3 = (lane(wrow0, j) for j in range(4))
    b0, b1, b2, b3 = (lane(wrow1, j) for j in range(4))
    c0 = -0.5 * (a0 * a0 + b0 * b0)
    da1, da2, da3 = a1 - a0, a2 - a0, a3 - a0
    db1, db2, db3 = b1 - b0, b2 - b0, b3 - b0
    dc1 = -0.5 * (a1 * a1 + b1 * b1) - c0
    dc2 = -0.5 * (a2 * a2 + b2 * b2) - c0
    dc3 = -0.5 * (a3 * a3 + b3 * b3) - c0
    zero = jnp.zeros((LANES,), jnp.float32)

    def body(g, _):
        goff = g * GROUP
        for u in range(GROUP // (2 * LANES)):
            xo = goff + u * LANES
            yo = xo + (GROUP // 2)
            xv = buf[pl.ds(xo, LANES)]
            yv = buf[pl.ds(yo, LANES)]
            t1 = xv * da1 + yv * db1 + dc1
            t2 = xv * da2 + yv * db2 + dc2
            t3 = xv * da3 + yv * db3 + dc3
            g1 = t1 > zero
            m = jnp.maximum(t1, zero)
            ox = jnp.where(g1, a1, a0)
            oy = jnp.where(g1, b1, b0)
            g2 = t2 > m
            m = jnp.maximum(t2, m)
            ox = jnp.where(g2, a2, ox)
            oy = jnp.where(g2, b2, oy)
            g3 = t3 > m
            ox = jnp.where(g3, a3, ox)
            oy = jnp.where(g3, b3, oy)
            buf[pl.ds(xo, LANES)] = ox
            buf[pl.ds(yo, LANES)] = oy
        return 0

    lax.fori_loop(0, n_groups, body, 0)

    pltpu.sync_copy(buf, o_hbm.at[pl.ds(base, chunk)])


def _vq_tc_body(w_ref, x_ref, o_ref):
    a = x_ref[...]
    rows = a.shape[0]
    pd = pltpu.roll(a, rows - 1, 0)
    pu = pltpu.roll(a, 1, 0)
    even = (lax.broadcasted_iota(jnp.int32, a.shape, 0) & 1) == 0
    xv = jnp.where(even, a, pu)
    yv = jnp.where(even, pd, a)
    a0, a1, a2, a3 = w_ref[0, 0], w_ref[0, 1], w_ref[0, 2], w_ref[0, 3]
    b0, b1, b2, b3 = w_ref[1, 0], w_ref[1, 1], w_ref[1, 2], w_ref[1, 3]
    c0 = -0.5 * (a0 * a0 + b0 * b0)
    c1 = -0.5 * (a1 * a1 + b1 * b1)
    c2 = -0.5 * (a2 * a2 + b2 * b2)
    c3 = -0.5 * (a3 * a3 + b3 * b3)
    t1 = xv * (a1 - a0) + yv * (b1 - b0) + (c1 - c0)
    t2 = xv * (a2 - a0) + yv * (b2 - b0) + (c2 - c0)
    t3 = xv * (a3 - a0) + yv * (b3 - b0) + (c3 - c0)
    g1 = t1 > 0.0
    m = jnp.maximum(t1, 0.0)
    ox = jnp.where(g1, a1, a0)
    oy = jnp.where(g1, b1, b0)
    g2 = t2 > m
    m = jnp.maximum(t2, m)
    ox = jnp.where(g2, a2, ox)
    oy = jnp.where(g2, b2, oy)
    g3 = t3 > m
    ox = jnp.where(g3, a3, ox)
    oy = jnp.where(g3, b3, oy)
    o_ref[...] = jnp.where(even, ox, oy)


def kernel(x, w, Centroid_sum, Centroid_n):
    n, d = x.shape
    total = n * d
    n_rows = total // 128

    xt = jnp.transpose(jnp.reshape(x, (n // 128, 128, d)), (0, 2, 1))
    xflat = jnp.reshape(xt, (total,))

    w_pad = lax.pad(w.astype(jnp.float32), jnp.float32(0),
                    [(0, 0, 0), (0, LANES - 4, 0)])

    sc_words = SC_GROUPS * GROUP
    sc_rows = sc_words // 128
    chunk = sc_words // NUM_WORKERS
    n_groups = chunk // GROUP

    mesh = plsc.VectorSubcoreMesh(
        core_axis_name="c", subcore_axis_name="s",
        num_cores=NUM_CORES, num_subcores=NUM_SUBCORES,
    )
    sc_run = pl.kernel(
        functools.partial(_vq_sc_body, chunk, n_groups),
        out_type=jax.ShapeDtypeStruct((sc_words,), jnp.float32),
        mesh=mesh,
        scratch_types=[
            pltpu.VMEM((chunk,), jnp.float32),
            pltpu.VMEM((2, LANES), jnp.float32),
        ],
        compiler_params=pltpu.CompilerParams(needs_layout_passes=False),
    )
    sc_out = sc_run(xflat, w_pad)

    tc_rows = n_rows - sc_rows
    x2d = jnp.reshape(xflat, (n_rows, 128))
    tc_out = pl.pallas_call(
        _vq_tc_body,
        grid=(tc_rows // TC_BLOCK_ROWS,),
        in_specs=[
            pl.BlockSpec(memory_space=pltpu.SMEM),
            pl.BlockSpec(
                (TC_BLOCK_ROWS, 128),
                lambda i: (sc_rows // TC_BLOCK_ROWS + i, 0),
            ),
        ],
        out_specs=pl.BlockSpec(
            (TC_BLOCK_ROWS, 128),
            lambda i: (sc_rows // TC_BLOCK_ROWS + i, 0),
        ),
        out_shape=jax.ShapeDtypeStruct((n_rows, 128), jnp.float32),
    )(w, x2d)

    out2d = lax.dynamic_update_slice(
        tc_out, jnp.reshape(sc_out, (sc_rows, 128)), (0, 0))

    out3 = jnp.reshape(out2d, (n // 128, d, 128))
    return jnp.reshape(jnp.transpose(out3, (0, 2, 1)), (n, d))

# --- scband reference (transcript-rebuilt; emitter-appended) ---
"""Pipeline reference for scband-vqvaelayer-61186104099449 (READ-ONLY COPY).

The authoritative reference and input builder live on the scoring server;
editing this copy changes nothing except your own understanding.
"""

import jax, jax.numpy as jnp
import numpy as np

EMBEDDING_DIM = 2
NUM_EMBEDDINGS = 4
GAMMA = 0.99


def setup_inputs(seed: int = 0) -> dict:
    key = jax.random.key(seed)
    x = jax.random.normal(key, (1048576, EMBEDDING_DIM), dtype=jnp.float32)
    # build(): w = transpose of the fixed 4x2 constant -> shape [embedding_dim, num_embeddings] = [2, 4]
    w = jnp.transpose(jnp.array([[1.0, 1.0], [-1.0, 1.0], [-1.0, -1.0], [1.0, -1.0]], dtype=jnp.float32))
    Centroid_sum = w
    Centroid_n = jnp.ones((NUM_EMBEDDINGS,), dtype=jnp.float32)
    return {"x": x, "w": w, "Centroid_sum": Centroid_sum, "Centroid_n": Centroid_n}


def reference(x, w, Centroid_sum, Centroid_n):
    flat_inputs = jnp.reshape(x, (-1, EMBEDDING_DIM))
    distances = (jnp.sum(flat_inputs ** 2, axis=1, keepdims=True)
                 - 2.0 * jnp.tensordot(flat_inputs, w, 1)
                 + jnp.sum(w ** 2, axis=0, keepdims=True))
    encoding_indices = jnp.argmax(-distances, axis=1)
    encoding_onehot = jax.nn.one_hot(encoding_indices, NUM_EMBEDDINGS, dtype=flat_inputs.dtype)
    quantized = jnp.matmul(encoding_onehot, jnp.transpose(w))
    # EMA codebook state updates (side effects in the original layer; do not affect the returned output)
    centroid_sum = jnp.matmul(jnp.transpose(x), encoding_onehot)
    centroid_n = jnp.sum(encoding_onehot, axis=0)
    new_centroid_sum = Centroid_sum * GAMMA + centroid_sum * (1.0 - GAMMA)
    new_centroid_n = Centroid_n * GAMMA + centroid_n * (1.0 - GAMMA)
    new_w = new_centroid_sum / new_centroid_n
    del new_w
    return quantized

if __name__ == "__main__":
    import jax
    _d = setup_inputs()
    print(jax.jit(kernel)(*tuple(_d.values())))

</pallas_src>

<mosaic_0001>
#map = affine_map<(d0, d1) -> (0)>
#map1 = affine_map<(d0, d1) -> (0, 0)>
module attributes {stable_mosaic.version = 14 : i64} {
  func.func @_vq_sc_body(%arg0: i32, %arg1: i32, %arg2: memref<2097152xf32, #tpu.memory_space<hbm>>, %arg3: memref<2x16xf32, #tpu.memory_space<hbm>>, %arg4: memref<786432xf32, #tpu.memory_space<hbm>>, %arg5: memref<24576xf32, #tpu.memory_space<vmem>>, %arg6: memref<2x16xf32, #tpu.memory_space<vmem>>) attributes {dimension_semantics = [#tpu.dimension_semantics<core_parallel>, #tpu.dimension_semantics<subcore_parallel>], iteration_bounds = array<i64: 2, 16>, scalar_prefetch = 0 : i64, scratch_operands = 2 : i64, tpu.core_type = #tpu.core_type<sc_vector_subcore>, window_params = [{transform_indices = #map}, {transform_indices = #map1}, {transform_indices = #map}]} {
    %mul3A = arith.constant 2 : i32
    %mul3A_0 = arith.muli %arg1, %mul3A : i32
    %add3A = arith.addi %mul3A_0, %arg0 : i32
    %mul3A_1 = arith.constant 24576 : i32
    %mul3A_2 = arith.muli %add3A, %mul3A_1 : i32
    "tpu.region"() ({
      %run_scoped3A = tpu.sem_alloc : memref<!tpu.dma_semaphore, #tpu.memory_space<semaphore_mem>>
      %dma_start3A = tpu.memref_slice %arg2[%mul3A_2] : memref<2097152xf32, #tpu.memory_space<hbm>> -> memref<24576xf32, #tpu.memory_space<hbm>>
      %dma_start3A_142 = tpu.memref_slice %arg2[%mul3A_2] : memref<2097152xf32, #tpu.memory_space<hbm>> -> memref<24576xf32, #tpu.memory_space<hbm>>
      tpu.enqueue_dma source(%dma_start3A_142 : memref<24576xf32, #tpu.memory_space<hbm>>) target(%arg5 : memref<24576xf32, #tpu.memory_space<vmem>>) target_semaphore(%run_scoped3A : memref<!tpu.dma_semaphore, #tpu.memory_space<semaphore_mem>>)
      %dma_wait3A = tpu.memref_slice %arg2[%mul3A_2] : memref<2097152xf32, #tpu.memory_space<hbm>> -> memref<24576xf32, #tpu.memory_space<hbm>>
      %dma_wait3A_143 = tpu.memref_slice %arg2[%mul3A_2] : memref<2097152xf32, #tpu.memory_space<hbm>> -> memref<24576xf32, #tpu.memory_space<hbm>>
      tpu.wait_dma2 semaphore(%run_scoped3A : memref<!tpu.dma_semaphore, #tpu.memory_space<semaphore_mem>>) src(%dma_wait3A_143 : memref<24576xf32, #tpu.memory_space<hbm>>) dst(%arg5 : memref<24576xf32, #tpu.memory_space<vmem>>)
      tpu.yield
    }) : () -> ()
    "tpu.region"() ({
      %run_scoped3A = tpu.sem_alloc : memref<!tpu.dma_semaphore, #tpu.memory_space<semaphore_mem>>
      tpu.enqueue_dma source(%arg3 : memref<2x16xf32, #tpu.memory_space<hbm>>) target(%arg6 : memref<2x16xf32, #tpu.memory_space<vmem>>) target_semaphore(%run_scoped3A : memref<!tpu.dma_semaphore, #tpu.memory_space<semaphore_mem>>)
      tpu.wait_dma2 semaphore(%run_scoped3A : memref<!tpu.dma_semaphore, #tpu.memory_space<semaphore_mem>>) src(%arg3 : memref<2x16xf32, #tpu.memory_space<hbm>>) dst(%arg6 : memref<2x16xf32, #tpu.memory_space<vmem>>)
      tpu.yield
    }) : () -> ()
    %get3A = arith.constant 0 : i32
    %get3A_3 = arith.index_cast %get3A : i32 to index
    %get3A_4 = arith.constant 0 : index
    %get3A_5 = tpu.vector_load %arg6[%get3A_3, %get3A_4] {strides = array<i32>} : memref<2x16xf32, #tpu.memory_space<vmem>>, vector<16xf32>,
    %get3A_6 = arith.constant 1 : i32
    %get3A_7 = arith.index_cast %get3A_6 : i32 to index
    %get3A_8 = arith.constant 0 : index
    %get3A_9 = tpu.vector_load %arg6[%get3A_7, %get3A_8] {strides = array<i32>} : memref<2x16xf32, #tpu.memory_space<vmem>>, vector<16xf32>,
    %broadcast_in_dim3A = arith.constant 0 : i32
    %broadcast_in_dim3A_10 = vector.broadcast %broadcast_in_dim3A : i32 to vector<16xi32>
    %lt3A = arith.constant 0 : i32
    %lt3A_11 = vector.broadcast %lt3A : i32 to vector<16xi32>
    %lt3A_12 = arith.cmpi slt, %broadcast_in_dim3A_10, %lt3A_11 : vector<16xi32>
    %add3A_13 = arith.constant 16 : i32
    %add3A_14 = vector.broadcast %add3A_13 : i32 to vector<16xi32>
    %add3A_15 = arith.addi %broadcast_in_dim3A_10, %add3A_14 : vector<16xi32>
    %select_n3A = arith.select %lt3A_12, %add3A_15, %broadcast_in_dim3A_10 : vector<16xi1>, vector<16xi32>
    %broadcast_in_dim3A_16 = vector.shape_cast %select_n3A : vector<16xi32> to vector<16x1xi32>
    %gather3A = vector.shape_cast %broadcast_in_dim3A_16 : vector<16x1xi32> to vector<16xi32>
    %gather3A_17 = tpu.dynamic_gather %get3A_5[%gather3A] in [0] : vector<16xf32>, vector<16xi32> -> vector<16xf32>
    %broadcast_in_dim3A_18 = arith.constant 1 : i32
    %broadcast_in_dim3A_19 = vector.broadcast %broadcast_in_dim3A_18 : i32 to vector<16xi32>
    %lt3A_20 = arith.constant 0 : i32
    %lt3A_21 = vector.broadcast %lt3A_20 : i32 to vector<16xi32>
    %lt3A_22 = arith.cmpi slt, %broadcast_in_dim3A_19, %lt3A_21 : vector<16xi32>
    %add3A_23 = arith.constant 16 : i32
    %add3A_24 = vector.broadcast %add3A_23 : i32 to vector<16xi32>
    %add3A_25 = arith.addi %broadcast_in_dim3A_19, %add3A_24 : vector<16xi32>
    %select_n3A_26 = arith.select %lt3A_22, %add3A_25, %broadcast_in_dim3A_19 : vector<16xi1>, vector<16xi32>
    %broadcast_in_dim3A_27 = vector.shape_cast %select_n3A_26 : vector<16xi32> to vector<16x1xi32>
    %gather3A_28 = vector.shape_cast %broadcast_in_dim3A_27 : vector<16x1xi32> to vector<16xi32>
    %gather3A_29 = tpu.dynamic_gather %get3A_5[%gather3A_28] in [0] : vector<16xf32>, vector<16xi32> -> vector<16xf32>
    %broadcast_in_dim3A_30 = arith.constant 2 : i32
    %broadcast_in_dim3A_31 = vector.broadcast %broadcast_in_dim3A_30 : i32 to vector<16xi32>
    %lt3A_32 = arith.constant 0 : i32
    %lt3A_33 = vector.broadcast %lt3A_32 : i32 to vector<16xi32>
    %lt3A_34 = arith.cmpi slt, %broadcast_in_dim3A_31, %lt3A_33 : vector<16xi32>
    %add3A_35 = arith.constant 16 : i32
    %add3A_36 = vector.broadcast %add3A_35 : i32 to vector<16xi32>
    %add3A_37 = arith.addi %broadcast_in_dim3A_31, %add3A_36 : vector<16xi32>
    %select_n3A_38 = arith.select %lt3A_34, %add3A_37, %broadcast_in_dim3A_31 : vector<16xi1>, vector<16xi32>
    %broadcast_in_dim3A_39 = vector.shape_cast %select_n3A_38 : vector<16xi32> to vector<16x1xi32>
    %gather3A_40 = vector.shape_cast %broadcast_in_dim3A_39 : vector<16x1xi32> to vector<16xi32>
    %gather3A_41 = tpu.dynamic_gather %get3A_5[%gather3A_40] in [0] : vector<16xf32>, vector<16xi32> -> vector<16xf32>
    %broadcast_in_dim3A_42 = arith.constant 3 : i32
    %broadcast_in_dim3A_43 = vector.broadcast %broadcast_in_dim3A_42 : i32 to vector<16xi32>
    %lt3A_44 = arith.constant 0 : i32
    %lt3A_45 = vector.broadcast %lt3A_44 : i32 to vector<16xi32>
    %lt3A_46 = arith.cmpi slt, %broadcast_in_dim3A_43, %lt3A_45 : vector<16xi32>
    %add3A_47 = arith.constant 16 : i32
    %add3A_48 = vector.broadcast %add3A_47 : i32 to vector<16xi32>
    %add3A_49 = arith.addi %broadcast_in_dim3A_43, %add3A_48 : vector<16xi32>
    %select_n3A_50 = arith.select %lt3A_46, %add3A_49, %broadcast_in_dim3A_43 : vector<16xi1>, vector<16xi32>
    %broadcast_in_dim3A_51 = vector.shape_cast %select_n3A_50 : vector<16xi32> to vector<16x1xi32>
    %gather3A_52 = vector.shape_cast %broadcast_in_dim3A_51 : vector<16x1xi32> to vector<16xi32>
    %gather3A_53 = tpu.dynamic_gather %get3A_5[%gather3A_52] in [0] : vector<16xf32>, vector<16xi32> -> vector<16xf32>
    %broadcast_in_dim3A_54 = arith.constant 0 : i32
    %broadcast_in_dim3A_55 = vector.broadcast %broadcast_in_dim3A_54 : i32 to vector<16xi32>
    %lt3A_56 = arith.constant 0 : i32
    %lt3A_57 = vector.broadcast %lt3A_56 : i32 to vector<16xi32>
    %lt3A_58 = arith.cmpi slt, %broadcast_in_dim3A_55, %lt3A_57 : vector<16xi32>
    %add3A_59 = arith.constant 16 : i32
    %add3A_60 = vector.broadcast %add3A_59 : i32 to vector<16xi32>
    %add3A_61 = arith.addi %broadcast_in_dim3A_55, %add3A_60 : vector<16xi32>
    %select_n3A_62 = arith.select %lt3A_58, %add3A_61, %broadcast_in_dim3A_55 : vector<16xi1>, vector<16xi32>
    %broadcast_in_dim3A_63 = vector.shape_cast %select_n3A_62 : vector<16xi32> to vector<16x1xi32>
    %gather3A_64 = vector.shape_cast %broadcast_in_dim3A_63 : vector<16x1xi32> to vector<16xi32>
    %gather3A_65 = tpu.dynamic_gather %get3A_9[%gather3A_64] in [0] : vector<16xf32>, vector<16xi32> -> vector<16xf32>
    %broadcast_in_dim3A_66 = arith.constant 1 : i32
    %broadcast_in_dim3A_67 = vector.broadcast %broadcast_in_dim3A_66 : i32 to vector<16xi32>
    %lt3A_68 = arith.constant 0 : i32
    %lt3A_69 = vector.broadcast %lt3A_68 : i32 to vector<16xi32>
    %lt3A_70 = arith.cmpi slt, %broadcast_in_dim3A_67, %lt3A_69 : vector<16xi32>
    %add3A_71 = arith.constant 16 : i32
    %add3A_72 = vector.broadcast %add3A_71 : i32 to vector<16xi32>
    %add3A_73 = arith.addi %broadcast_in_dim3A_67, %add3A_72 : vector<16xi32>
    %select_n3A_74 = arith.select %lt3A_70, %add3A_73, %broadcast_in_dim3A_67 : vector<16xi1>, vector<16xi32>
    %broadcast_in_dim3A_75 = vector.shape_cast %select_n3A_74 : vector<16xi32> to vector<16x1xi32>
    %gather3A_76 = vector.shape_cast %broadcast_in_dim3A_75 : vector<16x1xi32> to vector<16xi32>
    %gather3A_77 = tpu.dynamic_gather %get3A_9[%gather3A_76] in [0] : vector<16xf32>, vector<16xi32> -> vector<16xf32>
    %broadcast_in_dim3A_78 = arith.constant 2 : i32
    %broadcast_in_dim3A_79 = vector.broadcast %broadcast_in_dim3A_78 : i32 to vector<16xi32>
    %lt3A_80 = arith.constant 0 : i32
    %lt3A_81 = vector.broadcast %lt3A_80 : i32 to vector<16xi32>
    %lt3A_82 = arith.cmpi slt, %broadcast_in_dim3A_79, %lt3A_81 : vector<16xi32>
    %add3A_83 = arith.constant 16 : i32
    %add3A_84 = vector.broadcast %add3A_83 : i32 to vector<16xi32>
    %add3A_85 = arith.addi %broadcast_in_dim3A_79, %add3A_84 : vector<16xi32>
    %select_n3A_86 = arith.select %lt3A_82, %add3A_85, %broadcast_in_dim3A_79 : vector<16xi1>, vector<16xi32>
    %broadcast_in_dim3A_87 = vector.shape_cast %select_n3A_86 : vector<16xi32> to vector<16x1xi32>
    %gather3A_88 = vector.shape_cast %broadcast_in_dim3A_87 : vector<16x1xi32> to vector<16xi32>
    %gather3A_89 = tpu.dynamic_gather %get3A_9[%gather3A_88] in [0] : vector<16xf32>, vector<16xi32> -> vector<16xf32>
    %broadcast_in_dim3A_90 = arith.constant 3 : i32
    %broadcast_in_dim3A_91 = vector.broadcast %broadcast_in_dim3A_90 : i32 to vector<16xi32>
    %lt3A_92 = arith.constant 0 : i32
    %lt3A_93 = vector.broadcast %lt3A_92 : i32 to vector<16xi32>
    %lt3A_94 = arith.cmpi slt, %broadcast_in_dim3A_91, %lt3A_93 : vector<16xi32>
    %add3A_95 = arith.constant 16 : i32
    %add3A_96 = vector.broadcast %add3A_95 : i32 to vector<16xi32>
    %add3A_97 = arith.addi %broadcast_in_dim3A_91, %add3A_96 : vector<16xi32>
    %select_n3A_98 = arith.select %lt3A_94, %add3A_97, %broadcast_in_dim3A_91 : vector<16xi1>, vector<16xi32>
    %broadcast_in_dim3A_99 = vector.shape_cast %select_n3A_98 : vector<16xi32> to vector<16x1xi32>
    %gather3A_100 = vector.shape_cast %broadcast_in_dim3A_99 : vector<16x1xi32> to vector<16xi32>
    %gather3A_101 = tpu.dynamic_gather %get3A_9[%gather3A_100] in [0] : vector<16xf32>, vector<16xi32> -> vector<16xf32>
    %mul3A_102 = arith.mulf %gather3A_17, %gather3A_17 : vector<16xf32>
    %mul3A_103 = arith.mulf %gather3A_65, %gather3A_65 : vector<16xf32>
    %add3A_104 = arith.addf %mul3A_102, %mul3A_103 : vector<16xf32>
    %mul3A_105 = arith.constant -5.000000e-01 : f32
    %mul3A_106 = vector.broadcast %mul3A_105 : f32 to vector<16xf32>
    %mul3A_107 = arith.mulf %mul3A_106, %add3A_104 : vector<16xf32>
    %sub3A = arith.subf %gather3A_29, %gather3A_17 : vector<16xf32>
    %sub3A_108 = arith.subf %gather3A_41, %gather3A_17 : vector<16xf32>
    %sub3A_109 = arith.subf %gather3A_53, %gather3A_17 : vector<16xf32>
    %sub3A_110 = arith.subf %gather3A_77, %gather3A_65 : vector<16xf32>
    %sub3A_111 = arith.subf %gather3A_89, %gather3A_65 : vector<16xf32>
    %sub3A_112 = arith.subf %gather3A_101, %gather3A_65 : vector<16xf32>
    %mul3A_113 = arith.mulf %gather3A_29, %gather3A_29 : vector<16xf32>
    %mul3A_114 = arith.mulf %gather3A_77, %gather3A_77 : vector<16xf32>
    %add3A_115 = arith.addf %mul3A_113, %mul3A_114 : vector<16xf32>
    %mul3A_116 = arith.constant -5.000000e-01 : f32
    %mul3A_117 = vector.broadcast %mul3A_116 : f32 to vector<16xf32>
    %mul3A_118 = arith.mulf %mul3A_117, %add3A_115 : vector<16xf32>
    %sub3A_119 = arith.subf %mul3A_118, %mul3A_107 : vector<16xf32>
    %mul3A_120 = arith.mulf %gather3A_41, %gather3A_41 : vector<16xf32>
    %mul3A_121 = arith.mulf %gather3A_89, %gather3A_89 : vector<16xf32>
    %add3A_122 = arith.addf %mul3A_120, %mul3A_121 : vector<16xf32>
    %mul3A_123 = arith.constant -5.000000e-01 : f32
    %mul3A_124 = vector.broadcast %mul3A_123 : f32 to vector<16xf32>
    %mul3A_125 = arith.mulf %mul3A_124, %add3A_122 : vector<16xf32>
    %sub3A_126 = arith.subf %mul3A_125, %mul3A_107 : vector<16xf32>
    %mul3A_127 = arith.mulf %gather3A_53, %gather3A_53 : vector<16xf32>
    %mul3A_128 = arith.mulf %gather3A_101, %gather3A_101 : vector<16xf32>
    %add3A_129 = arith.addf %mul3A_127, %mul3A_128 : vector<16xf32>
    %mul3A_130 = arith.constant -5.000000e-01 : f32
    %mul3A_131 = vector.broadcast %mul3A_130 : f32 to vector<16xf32>
    %mul3A_132 = arith.mulf %mul3A_131, %add3A_129 : vector<16xf32>
    %sub3A_133 = arith.subf %mul3A_132, %mul3A_107 : vector<16xf32>
    %broadcast_in_dim3A_134 = arith.constant 0.000000e+00 : f32
    %broadcast_in_dim3A_135 = vector.broadcast %broadcast_in_dim3A_134 : f32 to vector<16xf32>
    %scan3A = arith.constant 0 : i32
    %scan3A_136 = arith.constant 0 : i32
    %scan3A_137 = arith.constant 96 : i32
    %scan3A_138 = arith.addi %scan3A_136, %scan3A_137 : i32
    %scan3A_139 = arith.constant 1 : i32
    %scan3A_140 = scf.for %scan3A_142 = %scan3A_136 to %scan3A_138 step %scan3A_139 iter_args(%scan3A_143 = %scan3A) -> (i32)  : i32 {
      %mul3A_144 = arith.constant 256 : i32
      %mul3A_145 = arith.muli %scan3A_142, %mul3A_144 : i32
      %add3A_146 = arith.constant 0 : i32
      %add3A_147 = arith.addi %mul3A_145, %add3A_146 : i32
      %add3A_148 = arith.constant 128 : i32
      %add3A_149 = arith.addi %add3A_147, %add3A_148 : i32
      %get3A_150 = arith.index_cast %add3A_147 : i32 to index
      %get3A_151 = tpu.vector_load %arg5[%get3A_150] {strides = array<i32>} : memref<24576xf32, #tpu.memory_space<vmem>>, vector<16xf32>,
      %get3A_152 = arith.index_cast %add3A_149 : i32 to index
      %get3A_153 = tpu.vector_load %arg5[%get3A_152] {strides = array<i32>} : memref<24576xf32, #tpu.memory_space<vmem>>, vector<16xf32>,
      %mul3A_154 = arith.mulf %get3A_151, %sub3A : vector<16xf32>
      %mul3A_155 = arith.mulf %get3A_153, %sub3A_110 : vector<16xf32>
      %add3A_156 = arith.addf %mul3A_154, %mul3A_155 : vector<16xf32>
      %add3A_157 = arith.addf %add3A_156, %sub3A_119 : vector<16xf32>
      %mul3A_158 = arith.mulf %get3A_151, %sub3A_108 : vector<16xf32>
      %mul3A_159 = arith.mulf %get3A_153, %sub3A_111 : vector<16xf32>
      %add3A_160 = arith.addf %mul3A_158, %mul3A_159 : vector<16xf32>
      %add3A_161 = arith.addf %add3A_160, %sub3A_126 : vector<16xf32>
      %mul3A_162 = arith.mulf %get3A_151, %sub3A_109 : vector<16xf32>
      %mul3A_163 = arith.mulf %get3A_153, %sub3A_112 : vector<16xf32>
      %add3A_164 = arith.addf %mul3A_162, %mul3A_163 : vector<16xf32>
      %add3A_165 = arith.addf %add3A_164, %sub3A_133 : vector<16xf32>
      %gt3A = arith.cmpf ogt, %add3A_157, %broadcast_in_dim3A_135 : vector<16xf32>
      %max3A = arith.maximumf %add3A_157, %broadcast_in_dim3A_135 : vector<16xf32>
      %select_n3A_166 = arith.select %gt3A, %gather3A_29, %gather3A_17 : vector<16xi1>, vector<16xf32>
      %select_n3A_167 = arith.select %gt3A, %gather3A_77, %gather3A_65 : vector<16xi1>, vector<16xf32>
      %gt3A_168 = arith.cmpf ogt, %add3A_161, %max3A : vector<16xf32>
      %max3A_169 = arith.maximumf %add3A_161, %max3A : vector<16xf32>
      %select_n3A_170 = arith.select %gt3A_168, %gather3A_41, %select_n3A_166 : vector<16xi1>, vector<16xf32>
      %select_n3A_171 = arith.select %gt3A_168, %gather3A_89, %select_n3A_167 : vector<16xi1>, vector<16xf32>
      %gt3A_172 = arith.cmpf ogt, %add3A_165, %max3A_169 : vector<16xf32>
      %select_n3A_173 = arith.select %gt3A_172, %gather3A_53, %select_n3A_170 : vector<16xi1>, vector<16xf32>
      %select_n3A_174 = arith.select %gt3A_172, %gather3A_101, %select_n3A_171 : vector<16xi1>, vector<16xf32>
      %swap3A = arith.index_cast %add3A_147 : i32 to index
      %swap3A_175 = tpu.vector_load %arg5[%swap3A] {strides = array<i32>} : memref<24576xf32, #tpu.memory_space<vmem>>, vector<16xf32>,
      tpu.vector_store %arg5[%swap3A], %select_n3A_173 {strides = array<i32>} : memref<24576xf32, #tpu.memory_space<vmem>>, vector<16xf32>,
      %swap3A_176 = arith.index_cast %add3A_149 : i32 to index
      %swap3A_177 = tpu.vector_load %arg5[%swap3A_176] {strides = array<i32>} : memref<24576xf32, #tpu.memory_space<vmem>>, vector<16xf32>,
      tpu.vector_store %arg5[%swap3A_176], %select_n3A_174 {strides = array<i32>} : memref<24576xf32, #tpu.memory_space<vmem>>, vector<16xf32>,
      %add3A_178 = arith.constant 16 : i32
      %add3A_179 = arith.addi %mul3A_145, %add3A_178 : i32
      %add3A_180 = arith.constant 128 : i32
      %add3A_181 = arith.addi %add3A_179, %add3A_180 : i32
      %get3A_182 = arith.index_cast %add3A_179 : i32 to index
      %get3A_183 = tpu.vector_load %arg5[%get3A_182] {strides = array<i32>} : memref<24576xf32, #tpu.memory_space<vmem>>, vector<16xf32>,
      %get3A_184 = arith.index_cast %add3A_181 : i32 to index
      %get3A_185 = tpu.vector_load %arg5[%get3A_184] {strides = array<i32>} : memref<24576xf32, #tpu.memory_space<vmem>>, vector<16xf32>,
      %mul3A_186 = arith.mulf %get3A_183, %sub3A : vector<16xf32>
      %mul3A_187 = arith.mulf %get3A_185, %sub3A_110 : vector<16xf32>
      %add3A_188 = arith.addf %mul3A_186, %mul3A_187 : vector<16xf32>
      %add3A_189 = arith.addf %add3A_188, %sub3A_119 : vector<16xf32>
      %mul3A_190 = arith.mulf %get3A_183, %sub3A_108 : vector<16xf32>
      %mul3A_191 = arith.mulf %get3A_185, %sub3A_111 : vector<16xf32>
      %add3A_192 = arith.addf %mul3A_190, %mul3A_191 : vector<16xf32>
      %add3A_193 = arith.addf %add3A_192, %sub3A_126 : vector<16xf32>
      %mul3A_194 = arith.mulf %get3A_183, %sub3A_109 : vector<16xf32>
      %mul3A_195 = arith.mulf %get3A_185, %sub3A_112 : vector<16xf32>
      %add3A_196 = arith.addf %mul3A_194, %mul3A_195 : vector<16xf32>
      %add3A_197 = arith.addf %add3A_196, %sub3A_133 : vector<16xf32>
      %gt3A_198 = arith.cmpf ogt, %add3A_189, %broadcast_in_dim3A_135 : vector<16xf32>
      %max3A_199 = arith.maximumf %add3A_189, %broadcast_in_dim3A_135 : vector<16xf32>
      %select_n3A_200 = arith.select %gt3A_198, %gather3A_29, %gather3A_17 : vector<16xi1>, vector<16xf32>
      %select_n3A_201 = arith.select %gt3A_198, %gather3A_77, %gather3A_65 : vector<16xi1>, vector<16xf32>
      %gt3A_202 = arith.cmpf ogt, %add3A_193, %max3A_199 : vector<16xf32>
      %max3A_203 = arith.maximumf %add3A_193, %max3A_199 : vector<16xf32>
      %select_n3A_204 = arith.select %gt3A_202, %gather3A_41, %select_n3A_200 : vector<16xi1>, vector<16xf32>
      %select_n3A_205 = arith.select %gt3A_202, %gather3A_89, %select_n3A_201 : vector<16xi1>, vector<16xf32>
      %gt3A_206 = arith.cmpf ogt, %add3A_197, %max3A_203 : vector<16xf32>
      %select_n3A_207 = arith.select %gt3A_206, %gather3A_53, %select_n3A_204 : vector<16xi1>, vector<16xf32>
      %select_n3A_208 = arith.select %gt3A_206, %gather3A_101, %select_n3A_205 : vector<16xi1>, vector<16xf32>
      %swap3A_209 = arith.index_cast %add3A_179 : i32 to index
      %swap3A_210 = tpu.vector_load %arg5[%swap3A_209] {strides = array<i32>} : memref<24576xf32, #tpu.memory_space<vmem>>, vector<16xf32>,
      tpu.vector_store %arg5[%swap3A_209], %select_n3A_207 {strides = array<i32>} : memref<24576xf32, #tpu.memory_space<vmem>>, vector<16xf32>,
      %swap3A_211 = arith.index_cast %add3A_181 : i32 to index
      %swap3A_212 = tpu.vector_load %arg5[%swap3A_211] {strides = array<i32>} : memref<24576xf32, #tpu.memory_space<vmem>>, vector<16xf32>,
      tpu.vector_store %arg5[%swap3A_211], %select_n3A_208 {strides = array<i32>} : memref<24576xf32, #tpu.memory_space<vmem>>, vector<16xf32>,
      %add3A_213 = arith.constant 32 : i32
      %add3A_214 = arith.addi %mul3A_145, %add3A_213 : i32
      %add3A_215 = arith.constant 128 : i32
      %add3A_216 = arith.addi %add3A_214, %add3A_215 : i32
      %get3A_217 = arith.index_cast %add3A_214 : i32 to index
      %get3A_218 = tpu.vector_load %arg5[%get3A_217] {strides = array<i32>} : memref<24576xf32, #tpu.memory_space<vmem>>, vector<16xf32>,
      %get3A_219 = arith.index_cast %add3A_216 : i32 to index
      %get3A_220 = tpu.vector_load %arg5[%get3A_219] {strides = array<i32>} : memref<24576xf32, #tpu.memory_space<vmem>>, vector<16xf32>,
      %mul3A_221 = arith.mulf %get3A_218, %sub3A : vector<16xf32>
      %mul3A_222 = arith.mulf %get3A_220, %sub3A_110 : vector<16xf32>
      %add3A_223 = arith.addf %mul3A_221, %mul3A_222 : vector<16xf32>
      %add3A_224 = arith.addf %add3A_223, %sub3A_119 : vector<16xf32>
      %mul3A_225 = arith.mulf %get3A_218, %sub3A_108 : vector<16xf32>
      %mul3A_226 = arith.mulf %get3A_220, %sub3A_111 : vector<16xf32>
      %add3A_227 = arith.addf %mul3A_225, %mul3A_226 : vector<16xf32>
      %add3A_228 = arith.addf %add3A_227, %sub3A_126 : vector<16xf32>
      %mul3A_229 = arith.mulf %get3A_218, %sub3A_109 : vector<16xf32>
      %mul3A_230 = arith.mulf %get3A_220, %sub3A_112 : vector<16xf32>
      %add3A_231 = arith.addf %mul3A_229, %mul3A_230 : vector<16xf32>
      %add3A_232 = arith.addf %add3A_231, %sub3A_133 : vector<16xf32>
      %gt3A_233 = arith.cmpf ogt, %add3A_224, %broadcast_in_dim3A_135 : vector<16xf32>
      %max3A_234 = arith.maximumf %add3A_224, %broadcast_in_dim3A_135 : vector<16xf32>
      %select_n3A_235 = arith.select %gt3A_233, %gather3A_29, %gather3A_17 : vector<16xi1>, vector<16xf32>
      %select_n3A_236 = arith.select %gt3A_233, %gather3A_77, %gather3A_65 : vector<16xi1>, vector<16xf32>
      %gt3A_237 = arith.cmpf ogt, %add3A_228, %max3A_234 : vector<16xf32>
      %max3A_238 = arith.maximumf %add3A_228, %max3A_234 : vector<16xf32>
      %select_n3A_239 = arith.select %gt3A_237, %gather3A_41, %select_n3A_235 : vector<16xi1>, vector<16xf32>
      %select_n3A_240 = arith.select %gt3A_237, %gather3A_89, %select_n3A_236 : vector<16xi1>, vector<16xf32>
      %gt3A_241 = arith.cmpf ogt, %add3A_232, %max3A_238 : vector<16xf32>
      %select_n3A_242 = arith.select %gt3A_241, %gather3A_53, %select_n3A_239 : vector<16xi1>, vector<16xf32>
      %select_n3A_243 = arith.select %gt3A_241, %gather3A_101, %select_n3A_240 : vector<16xi1>, vector<16xf32>
      %swap3A_244 = arith.index_cast %add3A_214 : i32 to index
      %swap3A_245 = tpu.vector_load %arg5[%swap3A_244] {strides = array<i32>} : memref<24576xf32, #tpu.memory_space<vmem>>, vector<16xf32>,
      tpu.vector_store %arg5[%swap3A_244], %select_n3A_242 {strides = array<i32>} : memref<24576xf32, #tpu.memory_space<vmem>>, vector<16xf32>,
      %swap3A_246 = arith.index_cast %add3A_216 : i32 to index
      %swap3A_247 = tpu.vector_load %arg5[%swap3A_246] {strides = array<i32>} : memref<24576xf32, #tpu.memory_space<vmem>>, vector<16xf32>,
      tpu.vector_store %arg5[%swap3A_246], %select_n3A_243 {strides = array<i32>} : memref<24576xf32, #tpu.memory_space<vmem>>, vector<16xf32>,
      %add3A_248 = arith.constant 48 : i32
      %add3A_249 = arith.addi %mul3A_145, %add3A_248 : i32
      %add3A_250 = arith.constant 128 : i32
      %add3A_251 = arith.addi %add3A_249, %add3A_250 : i32
      %get3A_252 = arith.index_cast %add3A_249 : i32 to index
      %get3A_253 = tpu.vector_load %arg5[%get3A_252] {strides = array<i32>} : memref<24576xf32, #tpu.memory_space<vmem>>, vector<16xf32>,
      %get3A_254 = arith.index_cast %add3A_251 : i32 to index
      %get3A_255 = tpu.vector_load %arg5[%get3A_254] {strides = array<i32>} : memref<24576xf32, #tpu.memory_space<vmem>>, vector<16xf32>,
      %mul3A_256 = arith.mulf %get3A_253, %sub3A : vector<16xf32>
      %mul3A_257 = arith.mulf %get3A_255, %sub3A_110 : vector<16xf32>
      %add3A_258 = arith.addf %mul3A_256, %mul3A_257 : vector<16xf32>
      %add3A_259 = arith.addf %add3A_258, %sub3A_119 : vector<16xf32>
      %mul3A_260 = arith.mulf %get3A_253, %sub3A_108 : vector<16xf32>
      %mul3A_261 = arith.mulf %get3A_255, %sub3A_111 : vector<16xf32>
      %add3A_262 = arith.addf %mul3A_260, %mul3A_261 : vector<16xf32>
      %add3A_263 = arith.addf %add3A_262, %sub3A_126 : vector<16xf32>
      %mul3A_264 = arith.mulf %get3A_253, %sub3A_109 : vector<16xf32>
      %mul3A_265 = arith.mulf %get3A_255, %sub3A_112 : vector<16xf32>
      %add3A_266 = arith.addf %mul3A_264, %mul3A_265 : vector<16xf32>
      %add3A_267 = arith.addf %add3A_266, %sub3A_133 : vector<16xf32>
      %gt3A_268 = arith.cmpf ogt, %add3A_259, %broadcast_in_dim3A_135 : vector<16xf32>
      %max3A_269 = arith.maximumf %add3A_259, %broadcast_in_dim3A_135 : vector<16xf32>
      %select_n3A_270 = arith.select %gt3A_268, %gather3A_29, %gather3A_17 : vector<16xi1>, vector<16xf32>
      %select_n3A_271 = arith.select %gt3A_268, %gather3A_77, %gather3A_65 : vector<16xi1>, vector<16xf32>
      %gt3A_272 = arith.cmpf ogt, %add3A_263, %max3A_269 : vector<16xf32>
      %max3A_273 = arith.maximumf %add3A_263, %max3A_269 : vector<16xf32>
      %select_n3A_274 = arith.select %gt3A_272, %gather3A_41, %select_n3A_270 : vector<16xi1>, vector<16xf32>
      %select_n3A_275 = arith.select %gt3A_272, %gather3A_89, %select_n3A_271 : vector<16xi1>, vector<16xf32>
      %gt3A_276 = arith.cmpf ogt, %add3A_267, %max3A_273 : vector<16xf32>
      %select_n3A_277 = arith.select %gt3A_276, %gather3A_53, %select_n3A_274 : vector<16xi1>, vector<16xf32>
      %select_n3A_278 = arith.select %gt3A_276, %gather3A_101, %select_n3A_275 : vector<16xi1>, vector<16xf32>
      %swap3A_279 = arith.index_cast %add3A_249 : i32 to index
      %swap3A_280 = tpu.vector_load %arg5[%swap3A_279] {strides = array<i32>} : memref<24576xf32, #tpu.memory_space<vmem>>, vector<16xf32>,
      tpu.vector_store %arg5[%swap3A_279], %select_n3A_277 {strides = array<i32>} : memref<24576xf32, #tpu.memory_space<vmem>>, vector<16xf32>,
      %swap3A_281 = arith.index_cast %add3A_251 : i32 to index
      %swap3A_282 = tpu.vector_load %arg5[%swap3A_281] {strides = array<i32>} : memref<24576xf32, #tpu.memory_space<vmem>>, vector<16xf32>,
      tpu.vector_store %arg5[%swap3A_281], %select_n3A_278 {strides = array<i32>} : memref<24576xf32, #tpu.memory_space<vmem>>, vector<16xf32>,
      %add3A_283 = arith.constant 64 : i32
      %add3A_284 = arith.addi %mul3A_145, %add3A_283 : i32
      %add3A_285 = arith.constant 128 : i32
      %add3A_286 = arith.addi %add3A_284, %add3A_285 : i32
      %get3A_287 = arith.index_cast %add3A_284 : i32 to index
      %get3A_288 = tpu.vector_load %arg5[%get3A_287] {strides = array<i32>} : memref<24576xf32, #tpu.memory_space<vmem>>, vector<16xf32>,
      %get3A_289 = arith.index_cast %add3A_286 : i32 to index
      %get3A_290 = tpu.vector_load %arg5[%get3A_289] {strides = array<i32>} : memref<24576xf32, #tpu.memory_space<vmem>>, vector<16xf32>,
      %mul3A_291 = arith.mulf %get3A_288, %sub3A : vector<16xf32>
      %mul3A_292 = arith.mulf %get3A_290, %sub3A_110 : vector<16xf32>
      %add3A_293 = arith.addf %mul3A_291, %mul3A_292 : vector<16xf32>
      %add3A_294 = arith.addf %add3A_293, %sub3A_119 : vector<16xf32>
      %mul3A_295 = arith.mulf %get3A_288, %sub3A_108 : vector<16xf32>
      %mul3A_296 = arith.mulf %get3A_290, %sub3A_111 : vector<16xf32>
      %add3A_297 = arith.addf %mul3A_295, %mul3A_296 : vector<16xf32>
      %add3A_298 = arith.addf %add3A_297, %sub3A_126 : vector<16xf32>
      %mul3A_299 = arith.mulf %get3A_288, %sub3A_109 : vector<16xf32>
      %mul3A_300 = arith.mulf %get3A_290, %sub3A_112 : vector<16xf32>
      %add3A_301 = arith.addf %mul3A_299, %mul3A_300 : vector<16xf32>
      %add3A_302 = arith.addf %add3A_301, %sub3A_133 : vector<16xf32>
      %gt3A_303 = arith.cmpf ogt, %add3A_294, %broadcast_in_dim3A_135 : vector<16xf32>
      %max3A_304 = arith.maximumf %add3A_294, %broadcast_in_dim3A_135 : vector<16xf32>
      %select_n3A_305 = arith.select %gt3A_303, %gather3A_29, %gather3A_17 : vector<16xi1>, vector<16xf32>
      %select_n3A_306 = arith.select %gt3A_303, %gather3A_77, %gather3A_65 : vector<16xi1>, vector<16xf32>
      %gt3A_307 = arith.cmpf ogt, %add3A_298, %max3A_304 : vector<16xf32>
      %max3A_308 = arith.maximumf %add3A_298, %max3A_304 : vector<16xf32>
      %select_n3A_309 = arith.select %gt3A_307, %gather3A_41, %select_n3A_305 : vector<16xi1>, vector<16xf32>
      %select_n3A_310 = arith.select %gt3A_307, %gather3A_89, %select_n3A_306 : vector<16xi1>, vector<16xf32>
      %gt3A_311 = arith.cmpf ogt, %add3A_302, %max3A_308 : vector<16xf32>
      %select_n3A_312 = arith.select %gt3A_311, %gather3A_53, %select_n3A_309 : vector<16xi1>, vector<16xf32>
      %select_n3A_313 = arith.select %gt3A_311, %gather3A_101, %select_n3A_310 : vector<16xi1>, vector<16xf32>
      %swap3A_314 = arith.index_cast %add3A_284 : i32 to index
      %swap3A_315 = tpu.vector_load %arg5[%swap3A_314] {strides = array<i32>} : memref<24576xf32, #tpu.memory_space<vmem>>, vector<16xf32>,
      tpu.vector_store %arg5[%swap3A_314], %select_n3A_312 {strides = array<i32>} : memref<24576xf32, #tpu.memory_space<vmem>>, vector<16xf32>,
      %swap3A_316 = arith.index_cast %add3A_286 : i32 to index
      %swap3A_317 = tpu.vector_load %arg5[%swap3A_316] {strides = array<i32>} : memref<24576xf32, #tpu.memory_space<vmem>>, vector<16xf32>,
      tpu.vector_store %arg5[%swap3A_316], %select_n3A_313 {strides = array<i32>} : memref<24576xf32, #tpu.memory_space<vmem>>, vector<16xf32>,
      %add3A_318 = arith.constant 80 : i32
      %add3A_319 = arith.addi %mul3A_145, %add3A_318 : i32
      %add3A_320 = arith.constant 128 : i32
      %add3A_321 = arith.addi %add3A_319, %add3A_320 : i32
      %get3A_322 = arith.index_cast %add3A_319 : i32 to index
      %get3A_323 = tpu.vector_load %arg5[%get3A_322] {strides = array<i32>} : memref<24576xf32, #tpu.memory_space<vmem>>, vector<16xf32>,
      %get3A_324 = arith.index_cast %add3A_321 : i32 to index
      %get3A_325 = tpu.vector_load %arg5[%get3A_324] {strides = array<i32>} : memref<24576xf32, #tpu.memory_space<vmem>>, vector<16xf32>,
      %mul3A_326 = arith.mulf %get3A_323, %sub3A : vector<16xf32>
      %mul3A_327 = arith.mulf %get3A_325, %sub3A_110 : vector<16xf32>
      %add3A_328 = arith.addf %mul3A_326, %mul3A_327 : vector<16xf32>
      %add3A_329 = arith.addf %add3A_328, %sub3A_119 : vector<16xf32>
      %mul3A_330 = arith.mulf %get3A_323, %sub3A_108 : vector<16xf32>
      %mul3A_331 = arith.mulf %get3A_325, %sub3A_111 : vector<16xf32>
      %add3A_332 = arith.addf %mul3A_330, %mul3A_331 : vector<16xf32>
      %add3A_333 = arith.addf %add3A_332, %sub3A_126 : vector<16xf32>
      %mul3A_334 = arith.mulf %get3A_323, %sub3A_109 : vector<16xf32>
      %mul3A_335 = arith.mulf %get3A_325, %sub3A_112 : vector<16xf32>
      %add3A_336 = arith.addf %mul3A_334, %mul3A_335 : vector<16xf32>
      %add3A_337 = arith.addf %add3A_336, %sub3A_133 : vector<16xf32>
      %gt3A_338 = arith.cmpf ogt, %add3A_329, %broadcast_in_dim3A_135 : vector<16xf32>
      %max3A_339 = arith.maximumf %add3A_329, %broadcast_in_dim3A_135 : vector<16xf32>
      %select_n3A_340 = arith.select %gt3A_338, %gather3A_29, %gather3A_17 : vector<16xi1>, vector<16xf32>
      %select_n3A_341 = arith.select %gt3A_338, %gather3A_77, %gather3A_65 : vector<16xi1>, vector<16xf32>
      %gt3A_342 = arith.cmpf ogt, %add3A_333, %max3A_339 : vector<16xf32>
      %max3A_343 = arith.maximumf %add3A_333, %max3A_339 : vector<16xf32>
      %select_n3A_344 = arith.select %gt3A_342, %gather3A_41, %select_n3A_340 : vector<16xi1>, vector<16xf32>
      %select_n3A_345 = arith.select %gt3A_342, %gather3A_89, %select_n3A_341 : vector<16xi1>, vector<16xf32>
      %gt3A_346 = arith.cmpf ogt, %add3A_337, %max3A_343 : vector<16xf32>
      %select_n3A_347 = arith.select %gt3A_346, %gather3A_53, %select_n3A_344 : vector<16xi1>, vector<16xf32>
      %select_n3A_348 = arith.select %gt3A_346, %gather3A_101, %select_n3A_345 : vector<16xi1>, vector<16xf32>
      %swap3A_349 = arith.index_cast %add3A_319 : i32 to index
      %swap3A_350 = tpu.vector_load %arg5[%swap3A_349] {strides = array<i32>} : memref<24576xf32, #tpu.memory_space<vmem>>, vector<16xf32>,
      tpu.vector_store %arg5[%swap3A_349], %select_n3A_347 {strides = array<i32>} : memref<24576xf32, #tpu.memory_space<vmem>>, vector<16xf32>,
      %swap3A_351 = arith.index_cast %add3A_321 : i32 to index
      %swap3A_352 = tpu.vector_load %arg5[%swap3A_351] {strides = array<i32>} : memref<24576xf32, #tpu.memory_space<vmem>>, vector<16xf32>,
      tpu.vector_store %arg5[%swap3A_351], %select_n3A_348 {strides = array<i32>} : memref<24576xf32, #tpu.memory_space<vmem>>, vector<16xf32>,
      %add3A_353 = arith.constant 96 : i32
      %add3A_354 = arith.addi %mul3A_145, %add3A_353 : i32
      %add3A_355 = arith.constant 128 : i32
      %add3A_356 = arith.addi %add3A_354, %add3A_355 : i32
      %get3A_357 = arith.index_cast %add3A_354 : i32 to index
      %get3A_358 = tpu.vector_load %arg5[%get3A_357] {strides = array<i32>} : memref<24576xf32, #tpu.memory_space<vmem>>, vector<16xf32>,
      %get3A_359 = arith.index_cast %add3A_356 : i32 to index
      %get3A_360 = tpu.vector_load %arg5[%get3A_359] {strides = array<i32>} : memref<24576xf32, #tpu.memory_space<vmem>>, vector<16xf32>,
      %mul3A_361 = arith.mulf %get3A_358, %sub3A : vector<16xf32>
      %mul3A_362 = arith.mulf %get3A_360, %sub3A_110 : vector<16xf32>
      %add3A_363 = arith.addf %mul3A_361, %mul3A_362 : vector<16xf32>
      %add3A_364 = arith.addf %add3A_363, %sub3A_119 : vector<16xf32>
      %mul3A_365 = arith.mulf %get3A_358, %sub3A_108 : vector<16xf32>
      %mul3A_366 = arith.mulf %get3A_360, %sub3A_111 : vector<16xf32>
      %add3A_367 = arith.addf %mul3A_365, %mul3A_366 : vector<16xf32>
      %add3A_368 = arith.addf %add3A_367, %sub3A_126 : vector<16xf32>
      %mul3A_369 = arith.mulf %get3A_358, %sub3A_109 : vector<16xf32>
      %mul3A_370 = arith.mulf %get3A_360, %sub3A_112 : vector<16xf32>
      %add3A_371 = arith.addf %mul3A_369, %mul3A_370 : vector<16xf32>
      %add3A_372 = arith.addf %add3A_371, %sub3A_133 : vector<16xf32>
      %gt3A_373 = arith.cmpf ogt, %add3A_364, %broadcast_in_dim3A_135 : vector<16xf32>
      %max3A_374 = arith.maximumf %add3A_364, %broadcast_in_dim3A_135 : vector<16xf32>
      %select_n3A_375 = arith.select %gt3A_373, %gather3A_29, %gather3A_17 : vector<16xi1>, vector<16xf32>
      %select_n3A_376 = arith.select %gt3A_373, %gather3A_77, %gather3A_65 : vector<16xi1>, vector<16xf32>
      %gt3A_377 = arith.cmpf ogt, %add3A_368, %max3A_374 : vector<16xf32>
      %max3A_378 = arith.maximumf %add3A_368, %max3A_374 : vector<16xf32>
      %select_n3A_379 = arith.select %gt3A_377, %gather3A_41, %select_n3A_375 : vector<16xi1>, vector<16xf32>
      %select_n3A_380 = arith.select %gt3A_377, %gather3A_89, %select_n3A_376 : vector<16xi1>, vector<16xf32>
      %gt3A_381 = arith.cmpf ogt, %add3A_372, %max3A_378 : vector<16xf32>
      %select_n3A_382 = arith.select %gt3A_381, %gather3A_53, %select_n3A_379 : vector<16xi1>, vector<16xf32>
      %select_n3A_383 = arith.select %gt3A_381, %gather3A_101, %select_n3A_380 : vector<16xi1>, vector<16xf32>
      %swap3A_384 = arith.index_cast %add3A_354 : i32 to index
      %swap3A_385 = tpu.vector_load %arg5[%swap3A_384] {strides = array<i32>} : memref<24576xf32, #tpu.memory_space<vmem>>, vector<16xf32>,
      tpu.vector_store %arg5[%swap3A_384], %select_n3A_382 {strides = array<i32>} : memref<24576xf32, #tpu.memory_space<vmem>>, vector<16xf32>,
      %swap3A_386 = arith.index_cast %add3A_356 : i32 to index
      %swap3A_387 = tpu.vector_load %arg5[%swap3A_386] {strides = array<i32>} : memref<24576xf32, #tpu.memory_space<vmem>>, vector<16xf32>,
      tpu.vector_store %arg5[%swap3A_386], %select_n3A_383 {strides = array<i32>} : memref<24576xf32, #tpu.memory_space<vmem>>, vector<16xf32>,
      %add3A_388 = arith.constant 112 : i32
      %add3A_389 = arith.addi %mul3A_145, %add3A_388 : i32
      %add3A_390 = arith.constant 128 : i32
      %add3A_391 = arith.addi %add3A_389, %add3A_390 : i32
      %get3A_392 = arith.index_cast %add3A_389 : i32 to index
      %get3A_393 = tpu.vector_load %arg5[%get3A_392] {strides = array<i32>} : memref<24576xf32, #tpu.memory_space<vmem>>, vector<16xf32>,
      %get3A_394 = arith.index_cast %add3A_391 : i32 to index
      %get3A_395 = tpu.vector_load %arg5[%get3A_394] {strides = array<i32>} : memref<24576xf32, #tpu.memory_space<vmem>>, vector<16xf32>,
      %mul3A_396 = arith.mulf %get3A_393, %sub3A : vector<16xf32>
      %mul3A_397 = arith.mulf %get3A_395, %sub3A_110 : vector<16xf32>
      %add3A_398 = arith.addf %mul3A_396, %mul3A_397 : vector<16xf32>
      %add3A_399 = arith.addf %add3A_398, %sub3A_119 : vector<16xf32>
      %mul3A_400 = arith.mulf %get3A_393, %sub3A_108 : vector<16xf32>
      %mul3A_401 = arith.mulf %get3A_395, %sub3A_111 : vector<16xf32>
      %add3A_402 = arith.addf %mul3A_400, %mul3A_401 : vector<16xf32>
      %add3A_403 = arith.addf %add3A_402, %sub3A_126 : vector<16xf32>
      %mul3A_404 = arith.mulf %get3A_393, %sub3A_109 : vector<16xf32>
      %mul3A_405 = arith.mulf %get3A_395, %sub3A_112 : vector<16xf32>
      %add3A_406 = arith.addf %mul3A_404, %mul3A_405 : vector<16xf32>
      %add3A_407 = arith.addf %add3A_406, %sub3A_133 : vector<16xf32>
      %gt3A_408 = arith.cmpf ogt, %add3A_399, %broadcast_in_dim3A_135 : vector<16xf32>
      %max3A_409 = arith.maximumf %add3A_399, %broadcast_in_dim3A_135 : vector<16xf32>
      %select_n3A_410 = arith.select %gt3A_408, %gather3A_29, %gather3A_17 : vector<16xi1>, vector<16xf32>
      %select_n3A_411 = arith.select %gt3A_408, %gather3A_77, %gather3A_65 : vector<16xi1>, vector<16xf32>
      %gt3A_412 = arith.cmpf ogt, %add3A_403, %max3A_409 : vector<16xf32>
      %max3A_413 = arith.maximumf %add3A_403, %max3A_409 : vector<16xf32>
      %select_n3A_414 = arith.select %gt3A_412, %gather3A_41, %select_n3A_410 : vector<16xi1>, vector<16xf32>
      %select_n3A_415 = arith.select %gt3A_412, %gather3A_89, %select_n3A_411 : vector<16xi1>, vector<16xf32>
      %gt3A_416 = arith.cmpf ogt, %add3A_407, %max3A_413 : vector<16xf32>
      %select_n3A_417 = arith.select %gt3A_416, %gather3A_53, %select_n3A_414 : vector<16xi1>, vector<16xf32>
      %select_n3A_418 = arith.select %gt3A_416, %gather3A_101, %select_n3A_415 : vector<16xi1>, vector<16xf32>
      %swap3A_419 = arith.index_cast %add3A_389 : i32 to index
      %swap3A_420 = tpu.vector_load %arg5[%swap3A_419] {strides = array<i32>} : memref<24576xf32, #tpu.memory_space<vmem>>, vector<16xf32>,
      tpu.vector_store %arg5[%swap3A_419], %select_n3A_417 {strides = array<i32>} : memref<24576xf32, #tpu.memory_space<vmem>>, vector<16xf32>,
      %swap3A_421 = arith.index_cast %add3A_391 : i32 to index
      %swap3A_422 = tpu.vector_load %arg5[%swap3A_421] {strides = array<i32>} : memref<24576xf32, #tpu.memory_space<vmem>>, vector<16xf32>,
      tpu.vector_store %arg5[%swap3A_421], %select_n3A_418 {strides = array<i32>} : memref<24576xf32, #tpu.memory_space<vmem>>, vector<16xf32>,
      %scan3A_423 = arith.constant 0 : i32
      scf.yield %scan3A_423 : i32
    }
    %scan3A_141 = arith.constant 96 : i32
    "tpu.region"() ({
      %run_scoped3A = tpu.sem_alloc : memref<!tpu.dma_semaphore, #tpu.memory_space<semaphore_mem>>
      %dma_start3A = tpu.memref_slice %arg4[%mul3A_2] : memref<786432xf32, #tpu.memory_space<hbm>> -> memref<24576xf32, #tpu.memory_space<hbm>>
      %dma_start3A_142 = tpu.memref_slice %arg4[%mul3A_2] : memref<786432xf32, #tpu.memory_space<hbm>> -> memref<24576xf32, #tpu.memory_space<hbm>>
      tpu.enqueue_dma source(%arg5 : memref<24576xf32, #tpu.memory_space<vmem>>) target(%dma_start3A_142 : memref<24576xf32, #tpu.memory_space<hbm>>) target_semaphore(%run_scoped3A : memref<!tpu.dma_semaphore, #tpu.memory_space<semaphore_mem>>)
      %dma_wait3A = tpu.memref_slice %arg4[%mul3A_2] : memref<786432xf32, #tpu.memory_space<hbm>> -> memref<24576xf32, #tpu.memory_space<hbm>>
      %dma_wait3A_143 = tpu.memref_slice %arg4[%mul3A_2] : memref<786432xf32, #tpu.memory_space<hbm>> -> memref<24576xf32, #tpu.memory_space<hbm>>
      tpu.wait_dma2 semaphore(%run_scoped3A : memref<!tpu.dma_semaphore, #tpu.memory_space<semaphore_mem>>) src(%arg5 : memref<24576xf32, #tpu.memory_space<vmem>>) dst(%dma_wait3A_143 : memref<24576xf32, #tpu.memory_space<hbm>>)
      tpu.yield
    }) : () -> ()
    return
  }
}

module attributes {stable_mosaic.version = 14 : i64} {
  func.func @_vq_tc_body(%arg0: i32, %arg1: memref<2x4xf32, #tpu.memory_space<smem>>, %arg2: memref<2048x128xf32, #tpu.memory_space<vmem>>, %arg3: memref<2048x128xf32, #tpu.memory_space<vmem>>) attributes {dimension_semantics = [#tpu.dimension_semantics<arbitrary>], iteration_bounds = array<i64: 5>, scalar_prefetch = 0 : i64, scratch_operands = 0 : i64, tpu.core_type = #tpu.core_type<tc>, window_params = [{transform_indices = @transform_0, window_bounds = array<i64: 2, 4>}, {transform_indices = @transform_1, window_bounds = array<i64: 2048, 128>}, {transform_indices = @transform_2, window_bounds = array<i64: 2048, 128>}]} {
    %get3A = arith.constant 0 : index
    %get3A_0 = arith.constant 0 : index
    %get3A_1 = vector.load %arg2[%get3A, %get3A_0] : memref<2048x128xf32, #tpu.memory_space<vmem>>, vector<2048x128xf32>
    %roll3A = arith.constant 2047 : i32
    %roll3A_2 = tpu.dynamic_rotate %get3A_1 by %roll3A dim 0 : vector<2048x128xf32>, i32 -> vector<2048x128xf32>
    %roll3A_3 = arith.constant 1 : i32
    %roll3A_4 = tpu.dynamic_rotate %get3A_1 by %roll3A_3 dim 0 : vector<2048x128xf32>, i32 -> vector<2048x128xf32>
    %iota3A = tpu.iota {dimensions = array<i32: 0>} : vector<2048x128xi32>
    %and3A = arith.constant 1 : i32
    %and3A_5 = vector.broadcast %and3A : i32 to vector<2048x128xi32>
    %and3A_6 = arith.andi %iota3A, %and3A_5 : vector<2048x128xi32>
    %eq3A = arith.constant 0 : i32
    %eq3A_7 = vector.broadcast %eq3A : i32 to vector<2048x128xi32>
    %eq3A_8 = arith.cmpi eq, %and3A_6, %eq3A_7 : vector<2048x128xi32>
    %select_n3A = arith.select %eq3A_8, %get3A_1, %roll3A_4 : vector<2048x128xi1>, vector<2048x128xf32>
    %select_n3A_9 = arith.select %eq3A_8, %roll3A_2, %get3A_1 : vector<2048x128xi1>, vector<2048x128xf32>
    %get3A_10 = arith.constant 0 : index
    %get3A_11 = arith.constant 0 : index
    %get3A_12 = memref.load %arg1[%get3A_10, %get3A_11] : memref<2x4xf32, #tpu.memory_space<smem>>
    %get3A_13 = arith.constant 0 : index
    %get3A_14 = arith.constant 1 : index
    %get3A_15 = memref.load %arg1[%get3A_13, %get3A_14] : memref<2x4xf32, #tpu.memory_space<smem>>
    %get3A_16 = arith.constant 0 : index
    %get3A_17 = arith.constant 2 : index
    %get3A_18 = memref.load %arg1[%get3A_16, %get3A_17] : memref<2x4xf32, #tpu.memory_space<smem>>
    %get3A_19 = arith.constant 0 : index
    %get3A_20 = arith.constant 3 : index
    %get3A_21 = memref.load %arg1[%get3A_19, %get3A_20] : memref<2x4xf32, #tpu.memory_space<smem>>
    %get3A_22 = arith.constant 1 : index
    %get3A_23 = arith.constant 0 : index
    %get3A_24 = memref.load %arg1[%get3A_22, %get3A_23] : memref<2x4xf32, #tpu.memory_space<smem>>
    %get3A_25 = arith.constant 1 : index
    %get3A_26 = arith.constant 1 : index
    %get3A_27 = memref.load %arg1[%get3A_25, %get3A_26] : memref<2x4xf32, #tpu.memory_space<smem>>
    %get3A_28 = arith.constant 1 : index
    %get3A_29 = arith.constant 2 : index
    %get3A_30 = memref.load %arg1[%get3A_28, %get3A_29] : memref<2x4xf32, #tpu.memory_space<smem>>
    %get3A_31 = arith.constant 1 : index
    %get3A_32 = arith.constant 3 : index
    %get3A_33 = memref.load %arg1[%get3A_31, %get3A_32] : memref<2x4xf32, #tpu.memory_space<smem>>
    %mul3A = arith.mulf %get3A_12, %get3A_12 : f32
    %mul3A_34 = arith.mulf %get3A_24, %get3A_24 : f32
    %add3A = arith.addf %mul3A, %mul3A_34 : f32
    %mul3A_35 = arith.constant -5.000000e-01 : f32
    %mul3A_36 = arith.mulf %mul3A_35, %add3A : f32
    %mul3A_37 = arith.mulf %get3A_15, %get3A_15 : f32
    %mul3A_38 = arith.mulf %get3A_27, %get3A_27 : f32
    %add3A_39 = arith.addf %mul3A_37, %mul3A_38 : f32
    %mul3A_40 = arith.constant -5.000000e-01 : f32
    %mul3A_41 = arith.mulf %mul3A_40, %add3A_39 : f32
    %mul3A_42 = arith.mulf %get3A_18, %get3A_18 : f32
    %mul3A_43 = arith.mulf %get3A_30, %get3A_30 : f32
    %add3A_44 = arith.addf %mul3A_42, %mul3A_43 : f32
    %mul3A_45 = arith.constant -5.000000e-01 : f32
    %mul3A_46 = arith.mulf %mul3A_45, %add3A_44 : f32
    %mul3A_47 = arith.mulf %get3A_21, %get3A_21 : f32
    %mul3A_48 = arith.mulf %get3A_33, %get3A_33 : f32
    %add3A_49 = arith.addf %mul3A_47, %mul3A_48 : f32
    %mul3A_50 = arith.constant -5.000000e-01 : f32
    %mul3A_51 = arith.mulf %mul3A_50, %add3A_49 : f32
    %sub3A = arith.subf %get3A_15, %get3A_12 : f32
    %mul3A_52 = vector.broadcast %sub3A : f32 to vector<2048x128xf32>
    %mul3A_53 = arith.mulf %select_n3A, %mul3A_52 : vector<2048x128xf32>
    %sub3A_54 = arith.subf %get3A_27, %get3A_24 : f32
    %mul3A_55 = vector.broadcast %sub3A_54 : f32 to vector<2048x128xf32>
    %mul3A_56 = arith.mulf %select_n3A_9, %mul3A_55 : vector<2048x128xf32>
    %add3A_57 = arith.addf %mul3A_53, %mul3A_56 : vector<2048x128xf32>
    %sub3A_58 = arith.subf %mul3A_41, %mul3A_36 : f32
    %add3A_59 = vector.broadcast %sub3A_58 : f32 to vector<2048x128xf32>
    %add3A_60 = arith.addf %add3A_57, %add3A_59 : vector<2048x128xf32>
    %sub3A_61 = arith.subf %get3A_18, %get3A_12 : f32
    %mul3A_62 = vector.broadcast %sub3A_61 : f32 to vector<2048x128xf32>
    %mul3A_63 = arith.mulf %select_n3A, %mul3A_62 : vector<2048x128xf32>
    %sub3A_64 = arith.subf %get3A_30, %get3A_24 : f32
    %mul3A_65 = vector.broadcast %sub3A_64 : f32 to vector<2048x128xf32>
    %mul3A_66 = arith.mulf %select_n3A_9, %mul3A_65 : vector<2048x128xf32>
    %add3A_67 = arith.addf %mul3A_63, %mul3A_66 : vector<2048x128xf32>
    %sub3A_68 = arith.subf %mul3A_46, %mul3A_36 : f32
    %add3A_69 = vector.broadcast %sub3A_68 : f32 to vector<2048x128xf32>
    %add3A_70 = arith.addf %add3A_67, %add3A_69 : vector<2048x128xf32>
    %sub3A_71 = arith.subf %get3A_21, %get3A_12 : f32
    %mul3A_72 = vector.broadcast %sub3A_71 : f32 to vector<2048x128xf32>
    %mul3A_73 = arith.mulf %select_n3A, %mul3A_72 : vector<2048x128xf32>
    %sub3A_74 = arith.subf %get3A_33, %get3A_24 : f32
    %mul3A_75 = vector.broadcast %sub3A_74 : f32 to vector<2048x128xf32>
    %mul3A_76 = arith.mulf %select_n3A_9, %mul3A_75 : vector<2048x128xf32>
    %add3A_77 = arith.addf %mul3A_73, %mul3A_76 : vector<2048x128xf32>
    %sub3A_78 = arith.subf %mul3A_51, %mul3A_36 : f32
    %add3A_79 = vector.broadcast %sub3A_78 : f32 to vector<2048x128xf32>
    %add3A_80 = arith.addf %add3A_77, %add3A_79 : vector<2048x128xf32>
    %gt3A = arith.constant 0.000000e+00 : f32
    %gt3A_81 = vector.broadcast %gt3A : f32 to vector<2048x128xf32>
    %gt3A_82 = arith.cmpf ogt, %add3A_60, %gt3A_81 : vector<2048x128xf32>
    %max3A = arith.constant 0.000000e+00 : f32
    %max3A_83 = vector.broadcast %max3A : f32 to vector<2048x128xf32>
    %max3A_84 = arith.maximumf %add3A_60, %max3A_83 : vector<2048x128xf32>
    %broadcast_in_dim3A = vector.broadcast %get3A_15 : f32 to vector<2048x128xf32>
    %broadcast_in_dim3A_85 = vector.broadcast %get3A_12 : f32 to vector<2048x128xf32>
    %select_n3A_86 = arith.select %gt3A_82, %broadcast_in_dim3A, %broadcast_in_dim3A_85 : vector<2048x128xi1>, vector<2048x128xf32>
    %broadcast_in_dim3A_87 = vector.broadcast %get3A_27 : f32 to vector<2048x128xf32>
    %broadcast_in_dim3A_88 = vector.broadcast %get3A_24 : f32 to vector<2048x128xf32>
    %select_n3A_89 = arith.select %gt3A_82, %broadcast_in_dim3A_87, %broadcast_in_dim3A_88 : vector<2048x128xi1>, vector<2048x128xf32>
    %gt3A_90 = arith.cmpf ogt, %add3A_70, %max3A_84 : vector<2048x128xf32>
    %max3A_91 = arith.maximumf %add3A_70, %max3A_84 : vector<2048x128xf32>
    %broadcast_in_dim3A_92 = vector.broadcast %get3A_18 : f32 to vector<2048x128xf32>
    %select_n3A_93 = arith.select %gt3A_90, %broadcast_in_dim3A_92, %select_n3A_86 : vector<2048x128xi1>, vector<2048x128xf32>
    %broadcast_in_dim3A_94 = vector.broadcast %get3A_30 : f32 to vector<2048x128xf32>
    %select_n3A_95 = arith.select %gt3A_90, %broadcast_in_dim3A_94, %select_n3A_89 : vector<2048x128xi1>, vector<2048x128xf32>
    %gt3A_96 = arith.cmpf ogt, %add3A_80, %max3A_91 : vector<2048x128xf32>
    %broadcast_in_dim3A_97 = vector.broadcast %get3A_21 : f32 to vector<2048x128xf32>
    %select_n3A_98 = arith.select %gt3A_96, %broadcast_in_dim3A_97, %select_n3A_93 : vector<2048x128xi1>, vector<2048x128xf32>
    %broadcast_in_dim3A_99 = vector.broadcast %get3A_33 : f32 to vector<2048x128xf32>
    %select_n3A_100 = arith.select %gt3A_96, %broadcast_in_dim3A_99, %select_n3A_95 : vector<2048x128xi1>, vector<2048x128xf32>
    %select_n3A_101 = arith.select %eq3A_8, %select_n3A_98, %select_n3A_100 : vector<2048x128xi1>, vector<2048x128xf32>
    %swap3A = arith.constant 0 : index
    %swap3A_102 = arith.constant 0 : index
    %swap3A_103 = vector.load %arg3[%swap3A, %swap3A_102] : memref<2048x128xf32, #tpu.memory_space<vmem>>, vector<2048x128xf32>
    tpu.vector_store %arg3[%swap3A, %swap3A_102], %select_n3A_101 {strides = array<i32>} : memref<2048x128xf32, #tpu.memory_space<vmem>>, vector<2048x128xf32>,
    return
  }
  func.func @transform_0(%arg0: i32) -> (i32, i32) {
    %c0_i32 = arith.constant 0 : i32
    %c0_i32_0 = arith.constant 0 : i32
    %c0_i32_1 = arith.constant 0 : i32
    return %c0_i32, %c0_i32_0 : i32, i32
  }
  func.func @transform_1(%arg0: i32) -> (i32, i32) {
    %add3A = arith.constant 3 : i32
    %add3A_0 = arith.addi %add3A, %arg0 : i32
    %c0_i32 = arith.constant 0 : i32
    %c0_i32_1 = arith.constant 0 : i32
    return %add3A_0, %c0_i32 : i32, i32
  }
  func.func @transform_2(%arg0: i32) -> (i32, i32) {
    %add3A = arith.constant 3 : i32
    %add3A_0 = arith.addi %add3A, %arg0 : i32
    %c0_i32 = arith.constant 0 : i32
    %c0_i32_1 = arith.constant 0 : i32
    return %add3A_0, %c0_i32 : i32, i32
  }
}

</mosaic_0001>

<sc_bundles>
// kernel: kernel.4.cloned.1.call-start
scs
__scs_entry_jumppad:
0x0: {  	(pc) =	sbr.rel $0x88, $3  }
0x1: {  	(tag) =	ssettag $0x0;
	lr =	simm.s32 $0x1  }
0x2: {  	[smem:$0x3F9F] =	sst lr;
	_ =	strace $0xD0000000  }
0x3: {  	_ = 	snop  }
0x4: {  	_ = 	snop  }
0x5: {  	_ = 	snop  }
0x6: {  	_ = 	snop  }
0x7: {  	_ = 	snop  }
__scs_overlays_trampoline_lowered:
0x8: {  	[smem:$0x3FAE] =	sst s0  }
0x9: {  	[smem:$0x3FAF] =	sst s1  }
0xa: {  	[smem:$0x3FB0] =	sst s2  }
0xb: {  	[smem:$0x3FB1] =	sst s3  }
0xc: {  	[smem:$0x3FB2] =	sst s4  }
0xd: {  	[smem:$0x3FB3] =	sst s5  }
0xe: {  	[smem:$0x3FB4] =	sst s6  }
0xf: {  	[smem:$0x3FB5] =	sst s7  }
0x10: {  	[smem:$0x3FB6] =	sst s8  }
0x11: {  	[smem:$0x3FB7] =	sst s9;
	s0 =	simm.s32 @!p0 $0x0  }
0x12: {  	s1 =	sld [smem:$0x3F9D];
	s0 =	simm.s32 @p0 $0x1  }
0x13: {  	[smem:$0x3FB8] =	sst s0;
	s0 =	simm.s32 @!p1 $0x0  }
0x14: {  	s2 =	sld [smem:$0x3F9C];
	s0 =	simm.s32 @p1 $0x1  }
0x15: {  	[smem:$0x3FB9] =	sst s0;
	s0 =	simm.s32 @!p2 $0x0  }
0x16: {  	s3 =	sld [smem:$0x3FDB];
	s0 =	simm.s32 @p2 $0x1  }
0x17: {  	s4 =	simm.s32 $0x1BF5;
	[smem:$0x3FBB] =	sst s0  }
0x18: {  	s0 =	sld [smem:$0x3F9E];
	_ =	swait.ge [sflag:s4], $0x0  }
0x19: {  	s7 =	sld [smem:$0x3F9F]  }
0x1a: {  	s8 =	sadd.s32 $0xFFFFE003, lr  }
0x1b: {  	s9 =	sadd.s32 $0xFFFFFEF7, lr;
	s5 =	simm.s32 $0xFFFFFFFF;
	p2 =	slt.u32 s8, $0xFFFFF086  }
0x1c: {  	p1 =	slt.u32 s9, $0xF7A;
	s5 =	simm.s32 @!p2 $0x0  }
0x1d: {  	s5 =	simm.s32 @p1 $0x1;
	p0 =	seq.s32 s7, s2  }
0x1e: {  	s7 =	smul.u32 @!p0 $0xF7A, s2;
	p2 =	seq.s32 @!p0 s5, $0x0  }
0x1f: {  	s9 =	smul.u32 $0xF7A, s1;
	s8 =	simm.s32 @!p0 $0x1BF5;
	p2 =	por !p2, p0  }
0x20: {  	[sflag:s8] =	ssyncset.s32 @!p0 $0xFFFFF086;
	s6 =	sadd.s32 @!p0 s3, s7;
	s7 =	simm.s32 @!p0 $0x108  }
0x21: {  	s3 =	sadd.s32 s3, s9;
	s6 =	sadd.s32 @!p0 $0x88, s6;
	s7 =	simm.s32 @p2 $0x1082  }
0x22: {  	[simem:s7], [sflag:s8] =	dma.local @!p0 [hbm:s6], $0xF7A  }
0x23: {  	s9 =	sor.u32 $0xD0000000, s2;
	s6 =	simm.s32 $0x108;
	_ =	swait.ge @!p0 [sflag:s8], $0x0  }
0x24: {  	s3 =	sadd.s32 $0x88, s3;
	s6 =	simm.s32 @!p1 $0x1082;
	[sflag:s4] =	ssyncset.s32 $0xFFFFF086  }
0x25: {  	[simem:s6], [sflag:s4] =	dma.local [hbm:s3], $0xF7A  }
0x26: {  	[smem:$0x3F9F] =	sst s1;
	(tag) =	ssettag s2;
	_ =	strace s9  }
0x27: {  	s1 =	sld [smem:$0x3FAF]  }
0x28: {  	s2 =	sld [smem:$0x3FB0]  }
0x29: {  	s4 =	sld [smem:$0x3FB2]  }
0x2a: {  	p0 =	seq.s32 s5, $0x0;
	s5 =	sld [smem:$0x3FB3]  }
0x2b: {  	s6 =	sld [smem:$0x3FB4]  }
0x2c: {  	s7 =	sld [smem:$0x3FB5]  }
0x2d: {  	s3 =	simm.s32 $0x108;
	s8 =	sld [smem:$0x3FB6]  }
0x2e: {  	s3 =	simm.s32 @!p0 $0x1082;
	s9 =	sld [smem:$0x3FB7]  }
0x2f: {  	lr =	sadd.s32 s0, s3;
	s0 =	sld [smem:$0x3FAE]  }
0x30: {  	s3 =	sld [smem:$0x3FB1]  }
0x31: {  	[smem:$0x3FBA] =	sst s10  }
0x32: {  	s10 =	sld [smem:$0x3FB8];
	_ =	sdelay $0x3  }
0x33: {  	p0 =	seq.s32 s10, $0x1;
	s10 =	sld [smem:$0x3FBA];
	_ =	sdelay $0x3  }
0x34: {  	[smem:$0x3FBA] =	sst s10  }
0x35: {  	s10 =	sld [smem:$0x3FB9];
	_ =	sdelay $0x3  }
0x36: {  	p1 =	seq.s32 s10, $0x1;
	s10 =	sld [smem:$0x3FBA];
	_ =	sdelay $0x3  }
0x37: {  	[smem:$0x3FBA] =	sst s10  }
0x38: {  	s10 =	sld [smem:$0x3FBB]  }
0x39: {  	_ = 	snop;
	(pc) =	sbr.ind lr, $3  }
0x3a: {  	_ = 	snop  }
0x3b: {  	_ = 	snop  }
0x3c: {  	p2 =	seq.s32 s10, $0x1;
	s10 =	sld [smem:$0x3FBA]  }
0x3d: {  	_ =	shalt  }
0x3e: {  	_ =	shalt  }
0x3f: {  	_ =	shalt  }
0x40: {  	_ =	shalt  }
0x41: {  	_ =	shalt  }
0x42: {  	_ =	shalt  }
0x43: {  	_ =	shalt  }
0x44: {  	_ =	shalt  }
0x45: {  	_ =	shalt  }
0x46: {  	_ =	shalt  }
0x47: {  	_ =	shalt  }
0x48: {  	_ =	shalt  }
0x49: {  	_ =	shalt  }
0x4a: {  	_ =	shalt  }
0x4b: {  	_ =	shalt  }
0x4c: {  	_ =	shalt  }
0x4d: {  	_ =	shalt  }
0x4e: {  	_ =	shalt  }
0x4f: {  	_ =	shalt  }
0x50: {  	_ =	shalt  }
0x51: {  	_ =	shalt  }
0x52: {  	_ =	shalt  }
0x53: {  	_ =	shalt  }
0x54: {  	_ =	shalt  }
0x55: {  	_ =	shalt  }
0x56: {  	_ =	shalt  }
0x57: {  	_ =	shalt  }
0x58: {  	_ =	shalt  }
0x59: {  	_ =	shalt  }
0x5a: {  	_ =	shalt  }
0x5b: {  	_ =	shalt  }
0x5c: {  	_ =	shalt  }
0x5d: {  	_ =	shalt  }
0x5e: {  	_ =	shalt  }
0x5f: {  	_ =	shalt  }
0x60: {  	_ =	shalt  }
0x61: {  	_ =	shalt  }
0x62: {  	_ =	shalt  }
0x63: {  	_ =	shalt  }
0x64: {  	_ =	shalt  }
0x65: {  	_ =	shalt  }
0x66: {  	_ =	shalt  }
0x67: {  	_ =	shalt  }
0x68: {  	_ =	shalt  }
0x69: {  	_ =	shalt  }
0x6a: {  	_ =	shalt  }
0x6b: {  	_ =	shalt  }
0x6c: {  	_ =	shalt  }
0x6d: {  	_ =	shalt  }
0x6e: {  	_ =	shalt  }
0x6f: {  	_ =	shalt  }
0x70: {  	_ =	shalt  }
0x71: {  	_ =	shalt  }
0x72: {  	_ =	shalt  }
0x73: {  	_ =	shalt  }
0x74: {  	_ =	shalt  }
0x75: {  	_ =	shalt  }
0x76: {  	_ =	shalt  }
0x77: {  	_ =	shalt  }
0x78: {  	_ =	shalt  }
0x79: {  	_ =	shalt  }
0x7a: {  	_ =	shalt  }
0x7b: {  	_ =	shalt  }
0x7c: {  	_ =	shalt  }
0x7d: {  	_ =	shalt  }
0x7e: {  	_ =	shalt  }
0x7f: {  	_ =	shalt  }
0x80: {  	_ =	shalt  }
0x81: {  	_ =	shalt  }
0x82: {  	_ =	shalt  }
0x83: {  	_ =	shalt  }
0x84: {  	_ =	shalt  }
0x85: {  	_ =	shalt  }
0x86: {  	_ =	shalt  }
0x87: {  	_ =	shalt  }
.Lfunc_end0:
.L_simem_size_0:
called_computation_lowered:
.L_overlay_start_0:
0x88: {  	s2 =	sld [smem:$0x3FD9]  }
0x89: {  	s3 =	sld [smem:$0x3FFE];
	_ =	sdelay $0x1  }
0x8a: {  	s1 =	srdreg.scid  }
0x8b: {  	s0 =	sand.u32 $0x1, s1  }
0x8c: {  	s17 =	sshll.u32 s0, $0xA;
	s2 =	sadd.s32 s3, s2  }
0x8d: {  	s2 =	sadd.s32 s2, s17  }
0x8e: {  	[smem:$0x3FC6] =	sst s2  }
0x8f: {  	_ = 	snop  }
0x90: {  	s2 =	sld [smem:$0x3FC9];
	(tm) =	ssettm $0x1  }
0x91: {  	s18 =	sld [smem:$0x3FFB];
	_ =	sdelay $0x3  }
0x92: {  	_ =	strace s18  }
0x93: {  	s3 =	sld [smem:$0x3FFC];
	_ =	sdelay $0x3  }
0x94: {  	_ =	strace s3  }
0x95: {  	s3 =	sld [smem:$0x3FFD];
	_ =	sdelay $0x3  }
0x96: {  	_ =	strace s3  }
0x97: {  	_ =	strace $0x8FFFFFFF  }
0x98: {  	s19 =	sld [smem:$0x3FDB];
	_ =	sdelay $0x1  }
0x99: {  	s4 =	simm.s32 $_scs_section_size  }
0x9a: {  	s5 =	simm.s32 $_size__tile_overlayer_lowered;
	s6 =	simm.s32 $_tile_overlayer_lowered  }
0x9b: {  	s22 =	simm.s32 $0x1BFF;
	s21 =	sshll.u32 s6, $0x1;
	s3 =	sadd.s32 s4, s19  }
0x9c: {  	s7 =	simm.s32 $0x0;
	s20 =	sshll.u32 s5, $0x1;
	s5 =	sadd.s32 s21, s3  }
0x9d: {  	[timem:s7], [sflag:s22] =	dma.local [hbm:s5], s20  }
0x9e: {  	_ =	swait.ge [sflag:s22], s20  }
0x9f: {  	s4 =	ssub.s32 $0x0, s20;
	[sflag:s22] =	ssyncset.done $0x0  }
0xa0: {  	[sflag:s22] =	ssyncadd.s32 s4;
	_ =	sdelay $0x1  }
0xa1: {  	s23 =	simm.s32 $0x1B8B  }
0xa2: {  	_ =	swait.ge [sflag:s23], $0x1  }
0xa3: {  	[sflag:s23] =	ssyncset.done $0x0  }
0xa4: {  	s25 =	simm.s32 $0x1B8E;
	s24 =	sld [smem:$0x3FFE];
	[sflag:s23] =	ssyncadd.s32 $0xFFFFFFFF  }
0xa5: {  	s26 =	simm.s32 $execute0_lowered;
	[smem:$0x3FD2] =	sst s25  }
0xa6: {  	s5 =	sshll.u32 s26, $0x1;
	_ =	strace $0x80000046;
	[dreg:$0x1] =	wrdreg $0xFFFFFFFF  }
0xa7: {  	s28 =	simm.s32 $_size_execute0_lowered;
	s3 =	sadd.s32 s3, s5;
	[dreg:$0x0] =	wrdreg $0x0  }
0xa8: {  	s5 =	sshll.u32 s28, $0x1;
	[dreg:$0x2] =	wrdreg s3  }
0xa9: {  	[dreg:$0x3] =	wrdreg s5  }
0xaa: {  	[dreg:$0x4] =	wrdreg $0xC0  }
0xab: {  	_ =	task [dreg:s7], $0x5FFFF  }
0xac: {  	[dreg:$0x1] =	wrdreg $0xFFFFFFFF  }
0xad: {  	[dreg:$0x0] =	wrdreg $0x60  }
0xae: {  	[dreg:$0x2] =	wrdreg s2  }
0xaf: {  	[dreg:$0x3] =	wrdreg s24  }
0xb0: {  	[dreg:$0x4] =	wrdreg $0x9  }
0xb1: {  	_ =	task.clear_ibuf [dreg:s7], $0x5FFFF;
	_ =	strace $0x90000046  }
0xb2: {  	s29 =	simm.s32 $0x9;
	_ =	strace $0x80000048  }
0xb3: {  	_ =	swait.ge [sflag:s29], $0x1  }
0xb4: {  	[sflag:s29] =	ssyncadd.s32 $0xFFFFFFFF  }
0xb5: {  	_ =	strace $0x90000048  }
0xb6: {  	_ =	sfence  }
0xb7: {  	s30 =	sld [smem:$0x0];
	_ =	sdelay $0x2  }
0xb8: {  	s31 =	sshll.u32 s1, $0xD;
	s1 =	sshrl.u32 s1, $0x2  }
0xb9: {  	s3 =	sand.u32 $0x4000, s31;
	s1 =	sadd.s32 s1, s30  }
0xba: {  	s0 =	sor.u32 s3, s0;
	s1 =	sshll.u32 s1, $0x11  }
0xbb: {  	s0 =	sor.u32 s1, s0  }
0xbc: {  	s0 =	sadd.s32 $0x8F2B, s0  }
0xbd: {  	[sflag:s0] =	ssyncadd.remote.s32 $0x1  }
0xbe: {  	_ =	sfence.sel $0xFFFF  }
0xbf: {  	[dreg:$0x0] =	wrdreg $0xFFFFFFFF;
	(pc) =	sbr.abs _section_cstart, $3  }
0xc0: {  	[dreg:$0x1] =	wrdreg $0xFFFFFFFF  }
0xc1: {  	_ =	task.clear_ibuf [dreg:s7], $0x2FFFF;
	_ =	strace $0x9FFFFFFF  }
0xc2: {  	(tm) =	ssettm $0x7FFFFFFF  }
0xc3: {  	_ =	shalt  }
tec
execute0_lowered:
.L_overlay_start_1:
0x0: {  	(tag) =	ssettag $0x1  }
0x1: {  	s4 =	rddreg [dreg:$0x0];
	s1 =	srdreg.scid  }
0x2: {  	s0 =	stileid.u32;
	s5 =	rddreg [dreg:$0x1];
	s2 =	simm.s32 $0x0  }
0x3: {  	s9 =	simm.s32 $0x0;
	s3 =	sand.u32 $0x1, s1;
	s6 =	sshll.u32 s0, $0x1  }
0x4: {  	s1 =	rddreg [dreg:$0x2];
	s6 =	sor.u32 s3, s6;
	s7 =	ssub.s32 $0x2, s3  }
0x5: {  	[smem:$0x7FF] =	sst s2;
	s6 =	smul.u32 $0xC00, s6;
	s8 =	sshrl.u32 s7, $0x1  }
0x6: {  	_ =	strace $0x80000047;
	s3 =	sadd.s32 $0x800, s5;
	s7 =	ssub.s32 s7, s8  }
0x7: {  	v0 =	vimm.s32 $0x0;
	s8 =	simm.s32 $0x6000;
	s5 =	sadd.s32 s6, s5;
	s4 =	sadd.s32 s4, s6  }
0x8: {  	v1 =	vimm.s32 $0x1;
	v2 =	vimm.s32 $0x2;
	v3 =	vimm.s32 $0x3;
	s6 =	smax.u32 s7, $0x1;
	s7 =	simm.s32 $0x1;
	s5 =	sadd.s32 $0xA00, s5  }
.LBB2_1:
0x9: {  	[tilespmem:s2], [sflag:$0x1] =	stream.linear.gather [hbm4b:s4+s2], $0x6000, $0x38;
	[tilespmem:$0x6100] =	vst v63  }
0xa: {  	_ =	swait.ge [sflag:s7], $0x6000  }
0xb: {  	[sflag:s7] =	ssyncset.done $0x0  }
0xc: {  	[sflag:s7] =	ssyncadd.s32 $0xFFFFA000  }
0xd: {  	[tilespmem:s8], [sflag:$0x1] =	stream.linear.gather [hbm4b:s3+s2], $0x100, $0x38;
	[tilespmem:$0x6100] =	vst v63  }
0xe: {  	_ =	swait.ge [sflag:s7], $0x100  }
0xf: {  	[sflag:s7] =	ssyncset.done $0x0  }
0x10: {  	[sflag:s7] =	ssyncadd.s32 $0xFFFFFF00  }
0x11: {  	v4 =	vld [tilespmem:$0x6000];
	_ =	sdelay $0x1  }
0x12: {  	v5 =	vld [tilespmem:$0x6080];
	_ =	sdelay $0x2  }
0x13: {  	v8 =	vperm.xlane v4, v0  }
0x14: {  	v10 =	vperm.xlane v4, v1;
	v6 =	vperm.xlane v4, v2  }
0x15: {  	v4 =	vperm.xlane v4, v3;
	v9 =	vperm.xlane v5, v0  }
0x16: {  	v11 =	vperm.xlane v5, v1;
	v7 =	vperm.xlane v5, v2  }
0x17: {  	v5 =	vperm.xlane v5, v3;
	v12 =	vmul.f32 v8, v8  }
0x18: {  	v13 =	vmul.f32 v9, v9;
	v14 =	vmul.f32 v10, v10  }
0x19: {  	s10 =	simm.s32 $0x0;
	v15 =	vmul.f32 v11, v11;
	v17 =	vmul.f32 v6, v6  }
0x1a: {  	v21 =	vld [tilespmem:s10+$0x70];
	v18 =	vmul.f32 v7, v7;
	v19 =	vmul.f32 v4, v4  }
0x1b: {  	v22 =	vld [tilespmem:s10+$0x0];
	v20 =	vmul.f32 v5, v5;
	v16 =	vadd.f32 v13, v12;
	v12 =	vsub.f32 v10, v8  }
0x1c: {  	v26 =	vld [tilespmem:s10+$0x80];
	v23 =	vadd.f32 v15, v14;
	v17 =	vadd.f32 v18, v17  }
0x1d: {  	v30 =	vld [tilespmem:s10+$0x10];
	v13 =	vsub.f32 v6, v8;
	v18 =	vadd.f32 v20, v19;
	v25 =	vmul.f32 $-5.000000000e-01, v16  }
0x1e: {  	v24 =	vld [tilespmem:s10+$0xF0];
	v14 =	vsub.f32 v4, v8;
	v19 =	vmul.f32 $-5.000000000e-01, v23;
	v20 =	vmul.f32 $-5.000000000e-01, v17  }
0x1f: {  	v34 =	vld [tilespmem:s10+$0x30];
	v15 =	vsub.f32 v11, v9;
	v27 =	vmul.f32 $-5.000000000e-01, v18;
	v28 =	vmul.f32 v21, v13  }
0x20: {  	v60 =	vld [tilespmem:s10+$0x50];
	v29 =	vmul.f32 v22, v14;
	v32 =	vmul.f32 v22, v12  }
0x21: {  	v44 =	vld [tilespmem:s10+$0x40];
	v35 =	vmul.f32 v22, v13;
	v22 =	vmul.f32 v26, v15  }
0x22: {  	v51 =	vld [tilespmem:s10+$0xC0];
	v37 =	vmul.f32 v30, v13;
	v39 =	vmul.f32 v21, v12  }
0x23: {  	v40 =	vmul.f32 v30, v14;
	v41 =	vmul.f32 v24, v15  }
0x24: {  	v21 =	vmul.f32 v21, v14;
	v43 =	vmul.f32 v34, v13  }
0x25: {  	v45 =	vmul.f32 v34, v14;
	v52 =	vmul.f32 v60, v14  }
0x26: {  	v38 =	vld [tilespmem:s10+$0xA0];
	v16 =	vsub.f32 v7, v9;
	v55 =	vmul.f32 v44, v13;
	v56 =	vmul.f32 v60, v13  }
0x27: {  	v46 =	vld [tilespmem:s10+$0x60];
	v17 =	vsub.f32 v5, v9;
	v34 =	vmul.f32 v34, v12;
	v57 =	vmul.f32 v51, v15  }
0x28: {  	v50 =	vld [tilespmem:s10+$0xE0];
	v30 =	vmul.f32 v30, v12;
	v18 =	vsub.f32 v19, v25;
	v31 =	vmul.f32 v24, v16  }
0x29: {  	v23 =	vld [tilespmem:s10+$0x90];
	v19 =	vsub.f32 v20, v25;
	v33 =	vmul.f32 v26, v17;
	v32 =	vadd.f32 v22, v32  }
0x2a: {  	v20 =	vsub.f32 v27, v25;
	v36 =	vmul.f32 v24, v17;
	v39 =	vadd.f32 v41, v39  }
0x2b: {  	v27 =	vmul.f32 v26, v16;
	v29 =	vadd.f32 v33, v29;
	v32 =	vadd.f32 v32, v18  }
0x2c: {  	v26 =	vld [tilespmem:s10+$0xD0];
	v47 =	vmul.f32 v38, v17;
	v21 =	vadd.f32 v36, v21;
	v39 =	vadd.f32 v39, v18  }
0x2d: {  	v25 =	vld [tilespmem:s10+$0x20];
	v28 =	vadd.f32 v31, v28;
	v31 =	vmul.f32 v46, v13;
	v33 =	vmul.f32 v60, v12  }
0x2e: {  	v60 =	vmul.f32 v50, v15;
	v35 =	vadd.f32 v27, v35;
	v59 =	vmul.f32 v23, v16  }
0x2f: {  	v22 =	vadd.f32 v29, v20;
	v49 =	vadd.f32 v21, v20;
	v21 =	vmul.f32 v38, v16  }
0x30: {  	vm0 =	vgt.f32 v39, $0.0e+00;
	v39 =	vmax.f32 v39, $0.0e+00;
	v38 =	vmul.f32 v38, v15  }
0x31: {  	v28 =	vadd.f32 v28, v19;
	v61 =	vmul.f32 v26, v15;
	v42 =	vmul.f32 v26, v17  }
0x32: {  	v24 =	vadd.f32 v59, v37;
	v62 =	vmul.f32 v25, v13;
	v63 =	vmul.f32 v25, v14  }
0x33: {  	v53 =	vsel vm0, v10, v8;
	v54 =	vsel vm0, v11, v9;
	v26 =	vmul.f32 v26, v16  }
0x34: {  	v29 =	vld [tilespmem:s10+$0xB0];
	v25 =	vmul.f32 v25, v12;
	vm0 =	vgt.f32 v28, v39;
	v28 =	vmax.f32 v28, v39  }
0x35: {  	v39 =	vmul.f32 v44, v14;
	v41 =	vadd.f32 v21, v62;
	v36 =	vadd.f32 v47, v63  }
0x36: {  	v33 =	vadd.f32 v61, v33;
	v61 =	vmul.f32 v46, v12;
	v62 =	vmul.f32 v50, v16  }
0x37: {  	vm2 =	vgt.f32 v49, v28;
	v26 =	vadd.f32 v26, v56;
	v58 =	vsel vm0, v6, v53  }
0x38: {  	v56 =	vadd.f32 v42, v52;
	v59 =	vsel vm0, v7, v54;
	v42 =	vsel vm2, v4, v58  }
0x39: {  	v48 =	vmul.f32 v29, v17;
	v21 =	vmul.f32 v29, v15;
	v33 =	vadd.f32 v33, v18  }
0x3a: {  	v29 =	vmul.f32 v29, v16;
	v31 =	vadd.f32 v62, v31;
	v26 =	vadd.f32 v26, v19  }
0x3b: {  	v49 =	vsel vm2, v5, v59;
	v37 =	vadd.f32 v56, v20;
	v45 =	vadd.f32 v48, v45  }
0x3c: {  	v48 =	vmul.f32 v46, v14;
	v21 =	vadd.f32 v21, v34;
	v29 =	vadd.f32 v29, v43  }
0x3d: {  	v43 =	vmul.f32 v51, v16;
	v51 =	vmul.f32 v51, v17;
	vm0 =	vgt.f32 v33, $0.0e+00  }
0x3e: {  	v34 =	vadd.f32 v60, v61;
	v60 =	vmul.f32 v50, v17;
	v31 =	vadd.f32 v31, v19  }
0x3f: {  	v33 =	vmax.f32 v33, $0.0e+00;
	v63 =	vadd.f32 v21, v18;
	v21 =	vadd.f32 v36, v20  }
0x40: {  	v61 =	vsel vm0, v10, v8;
	v34 =	vadd.f32 v34, v18;
	v47 =	vadd.f32 v60, v48  }
0x41: {  	v62 =	vsel vm0, v11, v9;
	v43 =	vadd.f32 v43, v55;
	v39 =	vadd.f32 v51, v39  }
0x42: {  	v51 =	vmax.f32 v26, v33;
	v53 =	vadd.f32 v29, v19;
	v29 =	vmul.f32 v44, v12  }
0x43: {  	vm1 =	vgt.f32 v63, $0.0e+00;
	v46 =	vmax.f32 v63, $0.0e+00;
	vm0 =	vgt.f32 v34, $0.0e+00  }
0x44: {  	v34 =	vmax.f32 v34, $0.0e+00;
	v43 =	vadd.f32 v43, v19;
	v56 =	vadd.f32 v47, v20  }
0x45: {  	v58 =	vadd.f32 v57, v29;
	v28 =	vsel vm1, v10, v8;
	v36 =	vsel vm1, v11, v9  }
0x46: {  	v63 =	vsel vm0, v11, v9;
	vm1 =	vgt.f32 v26, v33;
	v26 =	vsel vm0, v10, v8  }
0x47: {  	vm0 =	vgt.f32 v31, v34;
	v34 =	vmax.f32 v31, v34;
	v31 =	vadd.f32 v45, v20  }
0x48: {  	v33 =	vmax.f32 v53, v46;
	v59 =	vsel vm1, v7, v62;
	v29 =	vsel vm1, v6, v61  }
0x49: {  	v60 =	vsel vm0, v6, v26;
	vm1 =	vgt.f32 v53, v46;
	v61 =	vsel vm0, v7, v63  }
0x4a: {  	v62 =	vmul.f32 v23, v15;
	v63 =	vadd.f32 v58, v18;
	vm0 =	vgt.f32 v37, v51  }
0x4b: {  	vm3 =	vgt.f32 v56, v34;
	v53 =	vmax.f32 v32, $0.0e+00;
	v23 =	vmul.f32 v23, v17  }
0x4c: {  	v58 =	vadd.f32 v35, v19;
	v27 =	vsel vm1, v6, v28;
	v26 =	vsel vm1, v7, v36  }
0x4d: {  	v28 =	vadd.f32 v39, v20;
	vm1 =	vgt.f32 v32, $0.0e+00;
	v44 =	vsel vm3, v4, v60  }
0x4e: {  	v59 =	vsel vm0, v5, v59;
	v60 =	vsel vm3, v5, v61;
	v61 =	vadd.f32 v24, v19  }
0x4f: {  	v30 =	vadd.f32 v62, v30;
	vm2 =	vgt.f32 v63, $0.0e+00;
	v54 =	vsel vm1, v10, v8  }
0x50: {  	v55 =	vmax.f32 v63, $0.0e+00;
	v32 =	vsel vm1, v11, v9;
	v23 =	vadd.f32 v23, v40  }
0x51: {  	vm3 =	vgt.f32 v58, v53;
	v56 =	vmax.f32 v43, v55;
	vm4 =	vgt.f32 v43, v55  }
0x52: {  	v57 =	vsel vm2, v11, v9;
	v63 =	vsel vm3, v6, v54;
	v30 =	vadd.f32 v30, v18  }
0x53: {  	vm1 =	vgt.f32 v28, v56;
	v34 =	vadd.f32 v23, v20;
	v28 =	vsel vm2, v10, v8  }
0x54: {  	[tilespmem:s10+$0x70] =	vst v42;
	v23 =	vadd.f32 v38, v25;
	v25 =	vsel vm4, v7, v57;
	v28 =	vsel vm4, v6, v28  }
0x55: {  	[tilespmem:s10+$0xF0] =	vst v49;
	vm5 =	vgt.f32 v30, $0.0e+00;
	v62 =	vmax.f32 v30, $0.0e+00;
	v30 =	vmax.f32 v58, v53  }
0x56: {  	[tilespmem:s10+$0x60] =	vst v44;
	v24 =	vadd.f32 v23, v18;
	v35 =	vsel vm5, v10, v8;
	v36 =	vsel vm5, v11, v9  }
0x57: {  	[tilespmem:s10+$0xD0] =	vst v59;
	vm4 =	vgt.f32 v22, v30;
	vm5 =	vgt.f32 v61, v62;
	v22 =	vadd.f32 v41, v19  }
0x58: {  	s11 =	simm.s32 $0x400;
	[tilespmem:s10+$0xE0] =	vst v60;
	v23 =	vmax.f32 v61, v62;
	v30 =	vsel vm4, v4, v63;
	vm2 =	vgt.f32 v24, $0.0e+00  }
.LBB2_2:
0x59: {  	s12 =	sshra.s32 s11, $0x2;
	p0 =	sne.s32 s11, $0x17C00;
	s11 =	sadd.s32 $0x400, s11;
	v32 =	vsel vm3, v7, v32;
	v36 =	vsel vm5, v7, v36;
	v24 =	vmax.f32 v24, $0.0e+00  }
0x5a: {  	v35 =	vsel vm5, v6, v35;
	vm5 =	vgt.f32 v31, v33;
	v37 =	vld [tilespmem:s12+$0x70];
	v38 =	vmax.f32 v22, v24  }
0x5b: {  	v32 =	vsel vm4, v5, v32;
	vm4 =	vgt.f32 v34, v23;
	v31 =	vld [tilespmem:s12+$0xF0];
	[tilespmem:s10+$0x0] =	vst v30;
	vm3 =	vgt.f32 v21, v38  }
0x5c: {  	v29 =	vsel vm0, v4, v29;
	v23 =	vsel vm4, v4, v35;
	v30 =	vsel vm2, v11, v9;
	v21 =	vld [tilespmem:s12+$0x0];
	[tilespmem:s10+$0x80] =	vst v32  }
0x5d: {  	v34 =	vsel vm2, v10, v8;
	vm0 =	vgt.f32 v22, v24;
	v33 =	vsel vm4, v5, v36;
	v32 =	vld [tilespmem:s12+$0x80];
	[tilespmem:s10+$0x50] =	vst v29  }
0x5e: {  	v28 =	vsel vm1, v4, v28;
	v25 =	vsel vm1, v5, v25;
	v24 =	vsel vm0, v6, v34;
	[tilespmem:s10+$0x90] =	vst v33  }
0x5f: {  	v27 =	vsel vm5, v4, v27;
	v24 =	vsel vm3, v4, v24;
	v22 =	vld [tilespmem:s12+$0x90];
	[tilespmem:s10+$0x10] =	vst v23;
	v23 =	vsel vm0, v7, v30  }
0x60: {  	v26 =	vsel vm5, v5, v26;
	v30 =	vmul.f32 v37, v13;
	v33 =	vld [tilespmem:s12+$0x50];
	[tilespmem:s10+$0x30] =	vst v27  }
0x61: {  	v35 =	vmul.f32 v31, v16;
	v23 =	vsel vm3, v5, v23;
	v34 =	vmul.f32 v21, v14;
	v29 =	vld [tilespmem:s12+$0x10];
	[tilespmem:s10+$0xB0] =	vst v26  }
0x62: {  	v36 =	vmul.f32 v21, v12;
	v38 =	vmul.f32 v32, v17;
	v39 =	vld [tilespmem:s12+$0x30];
	[tilespmem:s10+$0x40] =	vst v28  }
0x63: {  	v26 =	vmul.f32 v21, v13;
	v27 =	vmul.f32 v32, v16;
	[tilespmem:s10+$0xC0] =	vst v25  }
0x64: {  	v21 =	vmul.f32 v32, v15;
	v28 =	vadd.f32 v38, v34;
	v34 =	vmul.f32 v22, v16;
	v38 =	vld [tilespmem:s12+$0xD0];
	[tilespmem:s10+$0x20] =	vst v24  }
0x65: {  	v40 =	vmul.f32 v31, v17;
	v25 =	vld [tilespmem:s12+$0x20];
	[tilespmem:s10+$0xA0] =	vst v23;
	s10 =	smov.u32 s12  }
0x66: {  	v41 =	vmul.f32 v37, v12;
	v21 =	vadd.f32 v21, v36;
	v24 =	vmul.f32 v29, v13;
	v36 =	vld [tilespmem:s10+$0xA0]  }
0x67: {  	v31 =	vmul.f32 v31, v15;
	v23 =	vadd.f32 v28, v20;
	v28 =	vmul.f32 v29, v14;
	v42 =	vld [tilespmem:s10+$0xB0]  }
0x68: {  	v32 =	vadd.f32 v21, v18;
	v21 =	vmul.f32 v37, v14;
	v24 =	vadd.f32 v34, v24  }
0x69: {  	v31 =	vadd.f32 v31, v41;
	v34 =	vmul.f32 v38, v15;
	v37 =	vmul.f32 v38, v17  }
0x6a: {  	v43 =	vmul.f32 v39, v13;
	v21 =	vadd.f32 v40, v21;
	v41 =	vmul.f32 v25, v13;
	v44 =	vld [tilespmem:s10+$0x40]  }
0x6b: {  	v31 =	vadd.f32 v31, v18;
	v45 =	vmul.f32 v39, v14;
	v40 =	vmul.f32 v25, v14;
	v46 =	vld [tilespmem:s10+$0x60]  }
0x6c: {  	v49 =	vadd.f32 v21, v20;
	v47 =	vmul.f32 v36, v17;
	v48 =	vmul.f32 v42, v17  }
0x6d: {  	vm0 =	vgt.f32 v31, $0.0e+00;
	v31 =	vmax.f32 v31, $0.0e+00;
	v21 =	vmul.f32 v36, v16;
	v50 =	vld [tilespmem:s10+$0xE0]  }
0x6e: {  	v52 =	vmul.f32 v33, v14;
	v53 =	vsel vm0, v10, v8;
	v54 =	vsel vm0, v11, v9;
	v51 =	vld [tilespmem:s10+$0xC0]  }
0x6f: {  	v35 =	vadd.f32 v35, v30;
	v56 =	vmul.f32 v33, v13;
	v55 =	vmul.f32 v44, v13  }
0x70: {  	v30 =	vadd.f32 v21, v41;
	v21 =	vmul.f32 v42, v15;
	v41 =	vmul.f32 v46, v13  }
0x71: {  	v33 =	vmul.f32 v33, v12;
	v45 =	vadd.f32 v48, v45;
	v48 =	vmul.f32 v46, v14  }
0x72: {  	v39 =	vmul.f32 v39, v12;
	v40 =	vadd.f32 v47, v40;
	v47 =	vmul.f32 v50, v15  }
0x73: {  	v33 =	vadd.f32 v34, v33;
	v42 =	vmul.f32 v42, v16;
	v57 =	vmul.f32 v51, v15  }
0x74: {  	v21 =	vadd.f32 v21, v39;
	v34 =	vmul.f32 v46, v12;
	v39 =	vmul.f32 v50, v16  }
0x75: {  	v35 =	vadd.f32 v35, v19;
	v42 =	vadd.f32 v42, v43;
	v43 =	vmul.f32 v51, v16  }
0x76: {  	v33 =	vadd.f32 v33, v18;
	v46 =	vadd.f32 v21, v18;
	v51 =	vmul.f32 v51, v17  }
0x77: {  	vm0 =	vgt.f32 v35, v31;
	v31 =	vmax.f32 v35, v31;
	v21 =	vadd.f32 v40, v20  }
0x78: {  	v35 =	vmul.f32 v38, v16;
	vm2 =	vgt.f32 v49, v31;
	vm1 =	vgt.f32 v46, $0.0e+00  }
0x79: {  	v31 =	vmul.f32 v44, v14;
	v38 =	vsel vm1, v10, v8;
	v40 =	vsel vm1, v11, v9  }
0x7a: {  	v35 =	vadd.f32 v35, v56;
	v46 =	vmax.f32 v46, $0.0e+00;
	v39 =	vadd.f32 v39, v41  }
0x7b: {  	v37 =	vadd.f32 v37, v52;
	v49 =	vsel vm0, v7, v54;
	v41 =	vsel vm0, v6, v53  }
0x7c: {  	vm0 =	vgt.f32 v33, $0.0e+00;
	v34 =	vadd.f32 v47, v34;
	v41 =	vsel vm2, v4, v41  }
0x7d: {  	v35 =	vadd.f32 v35, v19;
	v49 =	vsel vm2, v5, v49;
	v47 =	vmul.f32 v50, v17;
	[tilespmem:s10+$0x70] =	vst v41  }
0x7e: {  	v37 =	vadd.f32 v37, v20;
	v34 =	vadd.f32 v34, v18;
	v41 =	vsel vm0, v10, v8;
	[tilespmem:s10+$0xF0] =	vst v49  }
0x7f: {  	v36 =	vmul.f32 v36, v15;
	v39 =	vadd.f32 v39, v19;
	v49 =	vsel vm0, v11, v9  }
0x80: {  	v50 =	vmul.f32 v29, v12;
	v29 =	vadd.f32 v47, v48;
	vm0 =	vgt.f32 v34, $0.0e+00  }
0x81: {  	v33 =	vmax.f32 v33, $0.0e+00;
	v43 =	vadd.f32 v43, v55;
	v47 =	vsel vm0, v11, v9  }
0x82: {  	v48 =	vadd.f32 v51, v31;
	v51 =	vmax.f32 v35, v33;
	v31 =	vmax.f32 v34, $0.0e+00  }
0x83: {  	v43 =	vadd.f32 v43, v19;
	v34 =	vadd.f32 v42, v19;
	v42 =	vmul.f32 v44, v12  }
0x84: {  	vm1 =	vgt.f32 v35, v33;
	v35 =	vadd.f32 v29, v20;
	v33 =	vsel vm0, v10, v8  }
0x85: {  	v44 =	vsel vm1, v7, v49;
	vm0 =	vgt.f32 v39, v31;
	v42 =	vadd.f32 v57, v42  }
0x86: {  	v29 =	vsel vm1, v6, v41;
	v39 =	vmax.f32 v39, v31;
	v41 =	vsel vm0, v6, v33  }
0x87: {  	v31 =	vadd.f32 v45, v20;
	vm1 =	vgt.f32 v34, v46;
	v45 =	vsel vm0, v7, v47  }
0x88: {  	v47 =	vadd.f32 v27, v26;
	v33 =	vmul.f32 v22, v15;
	v42 =	vadd.f32 v42, v18  }
0x89: {  	v27 =	vsel vm1, v6, v38;
	v26 =	vsel vm1, v7, v40;
	v38 =	vadd.f32 v48, v20  }
0x8a: {  	vm0 =	vgt.f32 v37, v51;
	v40 =	vadd.f32 v33, v50;
	vm2 =	vgt.f32 v42, $0.0e+00  }
0x8b: {  	vm3 =	vgt.f32 v35, v39;
	vm1 =	vgt.f32 v32, $0.0e+00;
	v33 =	vmax.f32 v34, v46  }
0x8c: {  	v37 =	vmax.f32 v32, $0.0e+00;
	v39 =	vsel vm1, v10, v8;
	v34 =	vmax.f32 v42, $0.0e+00  }
0x8d: {  	v22 =	vmul.f32 v22, v17;
	v41 =	vsel vm3, v4, v41;
	v35 =	vmax.f32 v43, v34  }
0x8e: {  	v32 =	vsel vm1, v11, v9;
	v40 =	vadd.f32 v40, v18;
	vm4 =	vgt.f32 v43, v34;
	[tilespmem:s10+$0x60] =	vst v41  }
0x8f: {  	v25 =	vmul.f32 v25, v12;
	v22 =	vadd.f32 v22, v28;
	v28 =	vsel vm2, v11, v9  }
0x90: {  	vm5 =	vgt.f32 v40, $0.0e+00;
	vm1 =	vgt.f32 v38, v35;
	v41 =	vadd.f32 v47, v19  }
0x91: {  	v34 =	vadd.f32 v22, v20;
	v22 =	vadd.f32 v36, v25;
	v25 =	vsel vm4, v7, v28  }
0x92: {  	v28 =	vsel vm2, v10, v8;
	v35 =	vsel vm5, v10, v8;
	v36 =	vsel vm5, v11, v9  }
.Ltmp0:
0x93: {  	v42 =	vsel vm3, v5, v45;
	v38 =	vsel vm0, v5, v44;
	v28 =	vsel vm4, v6, v28;
	(pc) =	sbr.rel @p0 .LBB2_2-.Ltmp0, $4  }
0x94: {  	v43 =	vadd.f32 v24, v19;
	v40 =	vmax.f32 v40, $0.0e+00;
	vm3 =	vgt.f32 v41, v37;
	[tilespmem:s10+$0xD0] =	vst v38  }
0x95: {  	v24 =	vadd.f32 v22, v18;
	v37 =	vmax.f32 v41, v37;
	v38 =	vsel vm3, v6, v39;
	[tilespmem:s10+$0xE0] =	vst v42  }
0x96: {  	vm5 =	vgt.f32 v43, v40;
	v22 =	vadd.f32 v30, v19;
	vm4 =	vgt.f32 v23, v37  }
0x97: {  	vm2 =	vgt.f32 v24, $0.0e+00;
	v23 =	vmax.f32 v43, v40;
	v30 =	vsel vm4, v4, v38  }
0x98: {  	[tilespmem:s10+$0x0] =	vst v30;
	v55 =	vsel vm0, v4, v29  }
0x99: {  	v60 =	vsel vm1, v4, v28;
	[tilespmem:s10+$0x50] =	vst v55  }
0x9a: {  	v12 =	vsel vm3, v7, v32;
	v13 =	vsel vm5, v7, v36;
	v62 =	vsel vm1, v5, v25;
	[tilespmem:s10+$0x40] =	vst v60  }
0x9b: {  	vm12 =	vgt.f32 v34, v23;
	v14 =	vsel vm5, v6, v35;
	v12 =	vsel vm4, v5, v12;
	[tilespmem:s10+$0xC0] =	vst v62  }
0x9c: {  	v56 =	vmax.f32 v24, $0.0e+00;
	vm13 =	vgt.f32 v31, v33;
	v13 =	vsel vm12, v5, v13;
	[tilespmem:s10+$0x80] =	vst v12  }
0x9d: {  	v8 =	vsel vm2, v10, v8;
	v9 =	vsel vm2, v11, v9;
	v14 =	vsel vm12, v4, v14;
	[tilespmem:s10+$0x90] =	vst v13  }
0x9e: {  	v57 =	vmax.f32 v22, v56;
	v58 =	vsel vm13, v4, v27;
	vm15 =	vgt.f32 v22, v56;
	[tilespmem:s10+$0x10] =	vst v14  }
0x9f: {  	v59 =	vsel vm13, v5, v26;
	vm14 =	vgt.f32 v21, v57;
	[tilespmem:s10+$0x30] =	vst v58;
	v61 =	vsel vm15, v6, v8  }
0xa0: {  	s9 =	sadd.s32 $0x1, s9;
	[tilespmem:s10+$0xB0] =	vst v59;
	v63 =	vsel vm15, v7, v9;
	v4 =	vsel vm14, v4, v61  }
0xa1: {  	p0 =	sne.s32 s9, s6;
	v5 =	vsel vm14, v5, v63;
	[tilespmem:s10+$0x20] =	vst v4  }
.Ltmp1:
0xa2: {  	[tilespmem:s10+$0xA0] =	vst v5;
	(pc) =	sbr.rel @p0 .LBB2_1-.Ltmp1, $4  }
0xa3: {  	[hbm4b:s5+s2] =	stream.linear.scatter [tilespmem:s2], [sflag:$0x1], $0x6000, $0x38;
	[tilespmem:$0x6100] =	vst v63  }
0xa4: {  	_ =	swait.ge [sflag:s7], $0x6000  }
0xa5: {  	[sflag:s7] =	ssyncset.done $0x0  }
0xa6: {  	[sflag:s7] =	ssyncadd.s32 $0xFFFFA000  }
0xa7: {  	_ =	sfence.sel $0x180000  }
0xa8: {  	[bflag:$0x0] =	sbarrier.arrive $0xFFFF  }
0xa9: {  	p0 =	sne.s32 s0, $0x0;
	_ =	strace $0x90000047  }
0xaa: {  	s0 =	sadd.s32 @!p0 $0x100000, s1;
	[bflag:$0x2] =	sbarrier.arrive $0xFFFF  }
0xab: {  	[sflag:s0] =	ssyncadd.tile.s32 @!p0 $0x1;
	_ =	shalt  }
.Lfunc_end2:
_tile_overlayer_lowered:
.L_overlay_start_2:
0xac: {  	(tag) =	ssettag $0x2  }
0xad: {  	s0 =	rddreg [dreg:$0x0];
	s2 =	stileid.u32  }
0xae: {  	s1 =	rddreg [dreg:$0x1];
	p0 =	sne.s32 s2, $0x0  }
0xaf: {  	s3 =	rddreg [dreg:$0x2];
	[bflag:$0x3] =	sbarrier.arrive $0xFFFF;
	s2 =	simm.s32 @!p0 $0x1C01  }
0xb0: {  	[timem:s3], [sflag:s2] =	dma.local @!p0 [hbm:s0], s1  }
0xb1: {  	s0 =	simm.s32 @!p0 $0x1  }
0xb2: {  	_ =	swait.ge @!p0 [sflag:s0], s1  }
0xb3: {  	s1 =	ssub.s32 @!p0 $0x0, s1;
	[sflag:s0] =	ssyncset.done @!p0 $0x0  }
0xb4: {  	[sflag:s0] =	ssyncadd.s32 @!p0 s1  }
0xb5: {  	[bflag:$0x3] =	sbarrier.arrive $0xFFFF  }
0xb6: {  	_ =	shalt  }

</sc_bundles>
